<compile_context>
chip_gen: v7x
topology: tpu7x:2x2x1
jax: 0.10.2.dev20260603
libtpu: 0.0.44.dev20260713+nightly
codegen_flags: <defaults>
</compile_context>

<pallas_src>
import functools

import jax
import jax.numpy as jnp
from jax import lax
from jax.experimental import pallas as pl
from jax.experimental.pallas import tpu as pltpu
from jax.experimental.pallas import tpu_sc as plsc

N, E, D, H = 10000, 320000, 128, 256
NP = 10240
NH = NP // 128
NC, NS = 2, 16
L = 16
CH = 128
E2 = 327680
NB = E2 // NC // NS // CH


_mesh = plsc.VectorSubcoreMesh(core_axis_name="c", subcore_axis_name="s")


def _count_chunk(idx3, t, hist_v):
    for k in range(CH // L):
        d16 = idx3[t, 1, pl.ds(k * L, L)]
        cnt, last = plsc.scan_count(d16)
        plsc.addupdate_scatter(
            hist_v,
            [lax.shift_right_logical(d16, 7), lax.bitwise_and(d16, 127)],
            cnt.astype(jnp.float32),
            mask=last,
        )


def _edge_pipe(tab, ec_hbm, cbase, acc_sh, idxb, rowsb, semi, semg, sems,
               n, nd, ni, hist_v=None):
    def istart(j):
        pltpu.async_copy(ec_hbm.at[cbase + j], idxb.at[j % ni],
                         semi.at[j % ni])

    def iwait(j):
        pltpu.make_async_copy(ec_hbm.at[cbase + j], idxb.at[j % ni],
                              semi.at[j % ni]).wait()

    def gstart(j):
        pltpu.async_copy(tab.at[idxb.at[j % ni, 0]], rowsb.at[j % nd],
                         semg.at[j % nd])

    def gwait(j):
        pltpu.make_async_copy(tab.at[idxb.at[j % ni, 0]], rowsb.at[j % nd],
                              semg.at[j % nd]).wait()

    def sstart(j):
        pltpu.async_copy(rowsb.at[j % nd], acc_sh.at[idxb.at[j % ni, 1]],
                         sems.at[j % nd], add=True)

    def swait(j):
        pltpu.make_async_copy(rowsb.at[j % nd], acc_sh.at[idxb.at[j % ni, 1]],
                              sems.at[j % nd]).wait()

    istart(0)
    istart(1)
    iwait(0)
    gstart(0)

    def body(j, carry):
        gwait(j)

        @pl.when(j >= nd - 1)
        def _():
            swait(j - (nd - 1))

        @pl.when(j + 1 < n)
        def _():
            iwait(j + 1)
            gstart(j + 1)

        sstart(j)

        @pl.when(j + 2 < n)
        def _():
            istart(j + 2)

        if hist_v is not None:
            _count_chunk(idxb, j % ni, hist_v)
        return carry

    lax.fori_loop(0, n, body, 0)
    for k in range(nd - 1):
        swait(n - 1 - k)


def _agg1_body(xp_hbm, ec_hbm, zeros_hbm, out_hbm, cnt_hbm,
               idx3, rows2, iota_v, hist_v, semi, semg, sems,
               acc_sh, cnt_sh):
    c = lax.axis_index("c")
    s = lax.axis_index("s")
    rows = NP // NS
    rbase = s * rows
    cbase = (c * NS + s) * NB
    pltpu.sync_copy(zeros_hbm.at[pl.ds(rbase, rows)],
                    acc_sh.at[pl.ds(rbase, rows)])
    pltpu.sync_copy(zeros_hbm.at[pl.ds(0, NH)], hist_v)

    @pl.when(s == 0)
    def _():
        pltpu.sync_copy(zeros_hbm.at[pl.ds(0, NH)], cnt_sh)

    for k in range(NH // L):
        iota_v[0, pl.ds(k * L, L)] = lax.iota(jnp.int32, L) + k * L
    plsc.subcore_barrier()

    _edge_pipe(xp_hbm, ec_hbm, cbase, acc_sh, idx3, rows2, semi, semg, sems,
               NB, 2, 3, hist_v=hist_v)
    pltpu.sync_copy(hist_v, cnt_sh.at[iota_v.at[0]], add=True)
    plsc.subcore_barrier()
    pltpu.sync_copy(acc_sh.at[pl.ds(rbase, rows)],
                    out_hbm.at[c].at[pl.ds(rbase, rows)])

    @pl.when(s == 0)
    def _():
        pltpu.sync_copy(cnt_sh, cnt_hbm.at[c])


_agg1 = functools.partial(
    pl.kernel,
    out_type=(jax.ShapeDtypeStruct((NC, NP, D), jnp.float32),
              jax.ShapeDtypeStruct((NC, NH, 128), jnp.float32)),
    mesh=_mesh,
    scratch_types=[
        pltpu.VMEM((3, 2, CH), jnp.int32),
        pltpu.VMEM((2, CH, D), jnp.float32),
        pltpu.VMEM((1, NH), jnp.int32),
        pltpu.VMEM((NH, 128), jnp.float32),
        pltpu.SemaphoreType.DMA((3,)),
        pltpu.SemaphoreType.DMA((2,)),
        pltpu.SemaphoreType.DMA((2,)),
        pltpu.VMEM_SHARED((NP, D), jnp.float32),
        pltpu.VMEM_SHARED((NH, 128), jnp.float32),
    ],
    compiler_params=pltpu.CompilerParams(needs_layout_passes=False),
)(_agg1_body)


def _agg2_body(h1s_hbm, ec_hbm, zeros_hbm, out_hbm,
               idx3, rows2, semi, semg, sems, acc_sh):
    c = lax.axis_index("c")
    s = lax.axis_index("s")
    rows = NP // NS
    rbase = s * rows
    cbase = s * (2 * NB)
    pltpu.sync_copy(zeros_hbm.at[pl.ds(rbase, rows)],
                    acc_sh.at[pl.ds(rbase, rows)])
    plsc.subcore_barrier()
    _edge_pipe(h1s_hbm.at[c], ec_hbm, cbase, acc_sh, idx3, rows2,
               semi, semg, sems, 2 * NB, 2, 3)
    plsc.subcore_barrier()
    pltpu.sync_copy(acc_sh.at[pl.ds(rbase, rows)],
                    out_hbm.at[c].at[pl.ds(rbase, rows)])


_agg2 = functools.partial(
    pl.kernel,
    out_type=jax.ShapeDtypeStruct((NC, NP, D), jnp.float32),
    mesh=_mesh,
    scratch_types=[
        pltpu.VMEM((3, 2, CH), jnp.int32),
        pltpu.VMEM((2, CH, D), jnp.float32),
        pltpu.SemaphoreType.DMA((3,)),
        pltpu.SemaphoreType.DMA((2,)),
        pltpu.SemaphoreType.DMA((2,)),
        pltpu.VMEM_SHARED((NP, D), jnp.float32),
    ],
    compiler_params=pltpu.CompilerParams(needs_layout_passes=False),
)(_agg2_body)


BN = 1024


def _tc1_body(acc_ref, cnt_ref, x_ref, w1l_ref, w1r_ref, c1_ref, w2r_ref,
              h1s_ref, z_ref, inv_ref):
    agg = acc_ref[0] + acc_ref[1]
    hist = cnt_ref[0] + cnt_ref[1]
    rsel = lax.broadcasted_iota(jnp.int32, (BN, BN // 128), 0) >> 7
    csel = lax.broadcasted_iota(jnp.int32, (BN, BN // 128), 1)
    onehot = jnp.where(rsel == csel, 1.0, 0.0)
    rep = jnp.dot(onehot, hist, preferred_element_type=jnp.float32)
    ridx = lax.broadcasted_iota(jnp.int32, (BN, 128), 0) & 127
    lidx = lax.broadcasted_iota(jnp.int32, (BN, 128), 1)
    cnt = jnp.sum(jnp.where(ridx == lidx, rep, 0.0), axis=1, keepdims=True)
    inv = 1.0 / jnp.maximum(cnt, 1.0)
    mean = agg * inv
    lin = (jnp.dot(mean, w1l_ref[...], preferred_element_type=jnp.float32)
           + jnp.dot(x_ref[...], w1r_ref[...], preferred_element_type=jnp.float32)
           + c1_ref[...])
    h1 = jnp.maximum(lin, 0.0)
    h1s_ref[0] = h1[:, :D]
    h1s_ref[1] = h1[:, D:]
    z_ref[...] = jnp.dot(h1, w2r_ref[...], preferred_element_type=jnp.float32)
    inv_ref[...] = inv


_tc1 = pl.pallas_call(
    _tc1_body,
    grid=(NP // BN,),
    in_specs=[
        pl.BlockSpec((NC, BN, D), lambda i: (0, i, 0)),
        pl.BlockSpec((NC, BN // 128, 128), lambda i: (0, i, 0)),
        pl.BlockSpec((BN, D), lambda i: (i, 0)),
        pl.BlockSpec((D, H), lambda i: (0, 0)),
        pl.BlockSpec((D, H), lambda i: (0, 0)),
        pl.BlockSpec((1, H), lambda i: (0, 0)),
        pl.BlockSpec((H, H), lambda i: (0, 0)),
    ],
    out_specs=[
        pl.BlockSpec((2, BN, D), lambda i: (0, i, 0)),
        pl.BlockSpec((BN, H), lambda i: (i, 0)),
        pl.BlockSpec((BN, 1), lambda i: (i, 0)),
    ],
    out_shape=[
        jax.ShapeDtypeStruct((2, NP, D), jnp.float32),
        jax.ShapeDtypeStruct((NP, H), jnp.float32),
        jax.ShapeDtypeStruct((NP, 1), jnp.float32),
    ],
)


BN2 = 1000


def _tc2_body(acc2_ref, inv_ref, z_ref, w2l_ref, c2_ref, out_ref):
    inv = inv_ref[...]
    m0 = acc2_ref[0] * inv
    m1 = acc2_ref[1] * inv
    lin = (jnp.dot(m0, w2l_ref[0], preferred_element_type=jnp.float32)
           + jnp.dot(m1, w2l_ref[1], preferred_element_type=jnp.float32)
           + z_ref[...] + c2_ref[...])
    out_ref[...] = jnp.maximum(lin, 0.0)


_tc2 = pl.pallas_call(
    _tc2_body,
    grid=(N // BN2,),
    in_specs=[
        pl.BlockSpec((2, BN2, D), lambda i: (0, i, 0)),
        pl.BlockSpec((BN2, 1), lambda i: (i, 0)),
        pl.BlockSpec((BN2, H), lambda i: (i, 0)),
        pl.BlockSpec((2, D, H), lambda i: (0, 0, 0)),
        pl.BlockSpec((1, H), lambda i: (0, 0)),
    ],
    out_specs=pl.BlockSpec((BN2, H), lambda i: (i, 0)),
    out_shape=jax.ShapeDtypeStruct((N, H), jnp.float32),
)


def kernel(x, edge_index, W1l, b1, W1r, bn1_g, bn1_b, W2l, b2, W2r,
           bn2_g, bn2_b):
    ei = edge_index.astype(jnp.int32)

    def chunked(n_pad, ch):
        pad = n_pad - E
        src_p = jnp.concatenate(
            [ei[0], jnp.arange(pad, dtype=jnp.int32) % N])
        dst_p = jnp.concatenate(
            [ei[1], N + (jnp.arange(pad, dtype=jnp.int32) % (NP - N))])
        return jnp.stack(
            [src_p.reshape(n_pad // ch, ch), dst_p.reshape(n_pad // ch, ch)],
            axis=1)

    ec = chunked(E2, CH)
    bn_inv = 1.0 / jnp.sqrt(1.0 + 1e-5)
    s1 = bn1_g * bn_inv
    s2 = bn2_g * bn_inv
    c1 = (b1 * s1 + bn1_b).reshape(1, H)
    c2 = (b2 * s2 + bn2_b).reshape(1, H)
    w1l = W1l.T * s1[None, :]
    w1r = W1r.T * s1[None, :]
    w2r = W2r.T * s2[None, :]
    w2l = (W2l.T * s2[None, :]).reshape(2, D, H)

    xp = jnp.concatenate([x, jnp.zeros((NP - N, D), jnp.float32)], axis=0)
    zeros_h = jnp.zeros((NP, D), jnp.float32)

    acc1, cnt = _agg1(xp, ec, zeros_h)
    h1s, z, inv = _tc1(acc1, cnt, xp, w1l, w1r, c1, w2r)
    acc2 = _agg2(h1s, ec, zeros_h)
    return _tc2(acc2, inv, z, w2l, c2)

# --- scband reference (transcript-rebuilt; emitter-appended) ---
"""Pipeline reference for scband-coxformer-net-33389075759706 (READ-ONLY COPY).

The authoritative reference and input builder live on the scoring server;
editing this copy changes nothing except your own understanding.
"""

import jax, jax.numpy as jnp
import numpy as np

N, E, D, H = 10000, 320000, 128, 256


def setup_inputs(seed: int = 0):
    key = jax.random.key(seed)
    ks = jax.random.split(key, 8)
    x = jax.random.normal(ks[0], (N, D), dtype=jnp.float32)
    edge_index = jax.random.randint(ks[1], (2, E), 0, N)
    s1 = 1.0 / np.sqrt(D)
    s2 = 1.0 / np.sqrt(H)
    return {
        "x": x,
        "edge_index": edge_index,
        "W1l": jax.random.normal(ks[2], (H, D), dtype=jnp.float32) * s1,
        "b1": jnp.zeros((H,), dtype=jnp.float32),
        "W1r": jax.random.normal(ks[3], (H, D), dtype=jnp.float32) * s1,
        "bn1_g": jnp.ones((H,), dtype=jnp.float32),
        "bn1_b": jnp.zeros((H,), dtype=jnp.float32),
        "W2l": jax.random.normal(ks[4], (H, H), dtype=jnp.float32) * s2,
        "b2": jnp.zeros((H,), dtype=jnp.float32),
        "W2r": jax.random.normal(ks[5], (H, H), dtype=jnp.float32) * s2,
        "bn2_g": jnp.ones((H,), dtype=jnp.float32),
        "bn2_b": jnp.zeros((H,), dtype=jnp.float32),
    }


def _sage_conv(x, src, dst, Wl, b, Wr):
    # PyG SAGEConv (aggr='mean'): out = lin_l(mean_j x_j) + lin_r(x)
    msgs = jnp.take(x, src, axis=0)
    agg = jax.ops.segment_sum(msgs, dst, num_segments=x.shape[0])
    cnt = jax.ops.segment_sum(jnp.ones((src.shape[0],), dtype=jnp.float32), dst, num_segments=x.shape[0])
    mean = agg / jnp.clip(cnt, 1.0, None)[:, None]
    return mean @ Wl.T + b + x @ Wr.T


def _bn_eval(h, g, b, eps=1e-5):
    # BatchNorm1d in eval mode with fresh running stats (mean=0, var=1)
    return h / jnp.sqrt(1.0 + eps) * g + b


def reference(x, edge_index, W1l, b1, W1r, bn1_g, bn1_b, W2l, b2, W2r, bn2_g, bn2_b):
    src = edge_index[0]
    dst = edge_index[1]
    h = _sage_conv(x, src, dst, W1l, b1, W1r)
    h = _bn_eval(h, bn1_g, bn1_b)
    h = jax.nn.relu(h)
    # dropout is identity in eval mode
    h = _sage_conv(h, src, dst, W2l, b2, W2r)
    h = _bn_eval(h, bn2_g, bn2_b)
    h = jax.nn.relu(h)
    return h

if __name__ == "__main__":
    import jax
    _d = setup_inputs()
    print(jax.jit(kernel)(*tuple(_d.values())))

</pallas_src>

<mosaic_0001>
#map = affine_map<(d0, d1) -> (0, 0)>
#map1 = affine_map<(d0, d1) -> (0, 0, 0)>
module attributes {stable_mosaic.version = 14 : i64} {
  func.func @_agg1_body(%arg0: i32, %arg1: i32, %arg2: memref<10240x128xf32, #tpu.memory_space<hbm>>, %arg3: memref<2560x2x128xi32, #tpu.memory_space<hbm>>, %arg4: memref<10240x128xf32, #tpu.memory_space<hbm>>, %arg5: memref<2x10240x128xf32, #tpu.memory_space<hbm>>, %arg6: memref<2x80x128xf32, #tpu.memory_space<hbm>>, %arg7: memref<3x2x128xi32, #tpu.memory_space<vmem>>, %arg8: memref<2x128x128xf32, #tpu.memory_space<vmem>>, %arg9: memref<1x80xi32, #tpu.memory_space<vmem>>, %arg10: memref<80x128xf32, #tpu.memory_space<vmem>>, %arg11: memref<3x!tpu.dma_semaphore, #tpu.memory_space<semaphore_mem>>, %arg12: memref<2x!tpu.dma_semaphore, #tpu.memory_space<semaphore_mem>>, %arg13: memref<2x!tpu.dma_semaphore, #tpu.memory_space<semaphore_mem>>, %arg14: memref<10240x128xf32, #tpu.memory_space<vmem_shared>>, %arg15: memref<80x128xf32, #tpu.memory_space<vmem_shared>>) attributes {dimension_semantics = [#tpu.dimension_semantics<core_parallel>, #tpu.dimension_semantics<subcore_parallel>], iteration_bounds = array<i64: 2, 16>, scalar_prefetch = 0 : i64, scratch_operands = 9 : i64, tpu.core_type = #tpu.core_type<sc_vector_subcore>, window_params = [{transform_indices = #map}, {transform_indices = #map1}, {transform_indices = #map}, {transform_indices = #map1}, {transform_indices = #map1}]} {
    %mul3A = arith.constant 640 : i32
    %mul3A_0 = arith.muli %arg1, %mul3A : i32
    %mul3A_1 = arith.constant 16 : i32
    %mul3A_2 = arith.muli %arg0, %mul3A_1 : i32
    %add3A = arith.addi %mul3A_2, %arg1 : i32
    %mul3A_3 = arith.constant 80 : i32
    %mul3A_4 = arith.muli %add3A, %mul3A_3 : i32
    "tpu.region"() ({
      %run_scoped3A_152 = tpu.sem_alloc : memref<!tpu.dma_semaphore, #tpu.memory_space<semaphore_mem>>
      %dma_start3A_153 = arith.constant 0 : i32
      %dma_start3A_154 = tpu.memref_slice %arg14[%mul3A_0, %dma_start3A_153] : memref<10240x128xf32, #tpu.memory_space<vmem_shared>> -> memref<640x128xf32, #tpu.memory_space<vmem_shared>>
      %dma_start3A_155 = arith.constant 0 : i32
      %dma_start3A_156 = tpu.memref_slice %arg4[%mul3A_0, %dma_start3A_155] : memref<10240x128xf32, #tpu.memory_space<hbm>> -> memref<640x128xf32, #tpu.memory_space<hbm>>
      tpu.enqueue_dma source(%dma_start3A_156 : memref<640x128xf32, #tpu.memory_space<hbm>>) target(%dma_start3A_154 : memref<640x128xf32, #tpu.memory_space<vmem_shared>>) target_semaphore(%run_scoped3A_152 : memref<!tpu.dma_semaphore, #tpu.memory_space<semaphore_mem>>)
      %dma_wait3A_157 = arith.constant 0 : i32
      %dma_wait3A_158 = tpu.memref_slice %arg14[%mul3A_0, %dma_wait3A_157] : memref<10240x128xf32, #tpu.memory_space<vmem_shared>> -> memref<640x128xf32, #tpu.memory_space<vmem_shared>>
      %dma_wait3A_159 = arith.constant 0 : i32
      %dma_wait3A_160 = tpu.memref_slice %arg4[%mul3A_0, %dma_wait3A_159] : memref<10240x128xf32, #tpu.memory_space<hbm>> -> memref<640x128xf32, #tpu.memory_space<hbm>>
      tpu.wait_dma2 semaphore(%run_scoped3A_152 : memref<!tpu.dma_semaphore, #tpu.memory_space<semaphore_mem>>) src(%dma_wait3A_160 : memref<640x128xf32, #tpu.memory_space<hbm>>) dst(%dma_wait3A_158 : memref<640x128xf32, #tpu.memory_space<vmem_shared>>)
      tpu.yield
    }) : () -> ()
    "tpu.region"() ({
      %run_scoped3A_152 = tpu.sem_alloc : memref<!tpu.dma_semaphore, #tpu.memory_space<semaphore_mem>>
      %dma_start3A_153 = arith.constant 0 : i32
      %dma_start3A_154 = arith.constant 0 : i32
      %dma_start3A_155 = tpu.memref_slice %arg4[%dma_start3A_153, %dma_start3A_154] : memref<10240x128xf32, #tpu.memory_space<hbm>> -> memref<80x128xf32, #tpu.memory_space<hbm>>
      %dma_start3A_156 = arith.constant 0 : i32
      %dma_start3A_157 = arith.constant 0 : i32
      %dma_start3A_158 = tpu.memref_slice %arg4[%dma_start3A_156, %dma_start3A_157] : memref<10240x128xf32, #tpu.memory_space<hbm>> -> memref<80x128xf32, #tpu.memory_space<hbm>>
      tpu.enqueue_dma source(%dma_start3A_158 : memref<80x128xf32, #tpu.memory_space<hbm>>) target(%arg10 : memref<80x128xf32, #tpu.memory_space<vmem>>) target_semaphore(%run_scoped3A_152 : memref<!tpu.dma_semaphore, #tpu.memory_space<semaphore_mem>>)
      %dma_wait3A_159 = arith.constant 0 : i32
      %dma_wait3A_160 = arith.constant 0 : i32
      %dma_wait3A_161 = tpu.memref_slice %arg4[%dma_wait3A_159, %dma_wait3A_160] : memref<10240x128xf32, #tpu.memory_space<hbm>> -> memref<80x128xf32, #tpu.memory_space<hbm>>
      %dma_wait3A_162 = arith.constant 0 : i32
      %dma_wait3A_163 = arith.constant 0 : i32
      %dma_wait3A_164 = tpu.memref_slice %arg4[%dma_wait3A_162, %dma_wait3A_163] : memref<10240x128xf32, #tpu.memory_space<hbm>> -> memref<80x128xf32, #tpu.memory_space<hbm>>
      tpu.wait_dma2 semaphore(%run_scoped3A_152 : memref<!tpu.dma_semaphore, #tpu.memory_space<semaphore_mem>>) src(%dma_wait3A_164 : memref<80x128xf32, #tpu.memory_space<hbm>>) dst(%arg10 : memref<80x128xf32, #tpu.memory_space<vmem>>)
      tpu.yield
    }) : () -> ()
    %eq3A = arith.constant 0 : i32
    %eq3A_5 = arith.cmpi eq, %arg1, %eq3A : i32
    %convert_element_type3A = arith.extui %eq3A_5 : i1 to i32
    %cond3A = arith.constant 0 : i32
    %cond3A_6 = arith.cmpi ne, %convert_element_type3A, %cond3A : i32
    scf.if %cond3A_6 {
      "tpu.region"() ({
        %run_scoped3A_152 = tpu.sem_alloc : memref<!tpu.dma_semaphore, #tpu.memory_space<semaphore_mem>>
        %dma_start3A_153 = arith.constant 0 : i32
        %dma_start3A_154 = arith.constant 0 : i32
        %dma_start3A_155 = tpu.memref_slice %arg4[%dma_start3A_153, %dma_start3A_154] : memref<10240x128xf32, #tpu.memory_space<hbm>> -> memref<80x128xf32, #tpu.memory_space<hbm>>
        tpu.enqueue_dma source(%dma_start3A_155 : memref<80x128xf32, #tpu.memory_space<hbm>>) target(%arg15 : memref<80x128xf32, #tpu.memory_space<vmem_shared>>) target_semaphore(%run_scoped3A_152 : memref<!tpu.dma_semaphore, #tpu.memory_space<semaphore_mem>>)
        %dma_wait3A_156 = arith.constant 0 : i32
        %dma_wait3A_157 = arith.constant 0 : i32
        %dma_wait3A_158 = tpu.memref_slice %arg4[%dma_wait3A_156, %dma_wait3A_157] : memref<10240x128xf32, #tpu.memory_space<hbm>> -> memref<80x128xf32, #tpu.memory_space<hbm>>
        tpu.wait_dma2 semaphore(%run_scoped3A_152 : memref<!tpu.dma_semaphore, #tpu.memory_space<semaphore_mem>>) src(%dma_wait3A_158 : memref<80x128xf32, #tpu.memory_space<hbm>>) dst(%arg15 : memref<80x128xf32, #tpu.memory_space<vmem_shared>>)
        tpu.yield
      }) : () -> ()
    } else {
    }
    %iota3A = tpu.iota {dimensions = array<i32: 0>} : vector<16xi32>
    %add3A_7 = arith.constant 0 : i32
    %add3A_8 = vector.broadcast %add3A_7 : i32 to vector<16xi32>
    %add3A_9 = arith.addi %iota3A, %add3A_8 : vector<16xi32>
    %swap3A = arith.constant 0 : i32
    %swap3A_10 = arith.index_cast %swap3A : i32 to index
    %swap3A_11 = arith.constant 0 : index
    %swap3A_12 = tpu.vector_load %arg9[%swap3A_10, %swap3A_11] {strides = array<i32>} : memref<1x80xi32, #tpu.memory_space<vmem>>, vector<16xi32>,
    tpu.vector_store %arg9[%swap3A_10, %swap3A_11], %add3A_9 {strides = array<i32>} : memref<1x80xi32, #tpu.memory_space<vmem>>, vector<16xi32>,
    %iota3A_13 = tpu.iota {dimensions = array<i32: 0>} : vector<16xi32>
    %add3A_14 = arith.constant 16 : i32
    %add3A_15 = vector.broadcast %add3A_14 : i32 to vector<16xi32>
    %add3A_16 = arith.addi %iota3A_13, %add3A_15 : vector<16xi32>
    %swap3A_17 = arith.constant 0 : i32
    %swap3A_18 = arith.index_cast %swap3A_17 : i32 to index
    %swap3A_19 = arith.constant 16 : index
    %swap3A_20 = tpu.vector_load %arg9[%swap3A_18, %swap3A_19] {strides = array<i32>} : memref<1x80xi32, #tpu.memory_space<vmem>>, vector<16xi32>,
    tpu.vector_store %arg9[%swap3A_18, %swap3A_19], %add3A_16 {strides = array<i32>} : memref<1x80xi32, #tpu.memory_space<vmem>>, vector<16xi32>,
    %iota3A_21 = tpu.iota {dimensions = array<i32: 0>} : vector<16xi32>
    %add3A_22 = arith.constant 32 : i32
    %add3A_23 = vector.broadcast %add3A_22 : i32 to vector<16xi32>
    %add3A_24 = arith.addi %iota3A_21, %add3A_23 : vector<16xi32>
    %swap3A_25 = arith.constant 0 : i32
    %swap3A_26 = arith.index_cast %swap3A_25 : i32 to index
    %swap3A_27 = arith.constant 32 : index
    %swap3A_28 = tpu.vector_load %arg9[%swap3A_26, %swap3A_27] {strides = array<i32>} : memref<1x80xi32, #tpu.memory_space<vmem>>, vector<16xi32>,
    tpu.vector_store %arg9[%swap3A_26, %swap3A_27], %add3A_24 {strides = array<i32>} : memref<1x80xi32, #tpu.memory_space<vmem>>, vector<16xi32>,
    %iota3A_29 = tpu.iota {dimensions = array<i32: 0>} : vector<16xi32>
    %add3A_30 = arith.constant 48 : i32
    %add3A_31 = vector.broadcast %add3A_30 : i32 to vector<16xi32>
    %add3A_32 = arith.addi %iota3A_29, %add3A_31 : vector<16xi32>
    %swap3A_33 = arith.constant 0 : i32
    %swap3A_34 = arith.index_cast %swap3A_33 : i32 to index
    %swap3A_35 = arith.constant 48 : index
    %swap3A_36 = tpu.vector_load %arg9[%swap3A_34, %swap3A_35] {strides = array<i32>} : memref<1x80xi32, #tpu.memory_space<vmem>>, vector<16xi32>,
    tpu.vector_store %arg9[%swap3A_34, %swap3A_35], %add3A_32 {strides = array<i32>} : memref<1x80xi32, #tpu.memory_space<vmem>>, vector<16xi32>,
    %iota3A_37 = tpu.iota {dimensions = array<i32: 0>} : vector<16xi32>
    %add3A_38 = arith.constant 64 : i32
    %add3A_39 = vector.broadcast %add3A_38 : i32 to vector<16xi32>
    %add3A_40 = arith.addi %iota3A_37, %add3A_39 : vector<16xi32>
    %swap3A_41 = arith.constant 0 : i32
    %swap3A_42 = arith.index_cast %swap3A_41 : i32 to index
    %swap3A_43 = arith.constant 64 : index
    %swap3A_44 = tpu.vector_load %arg9[%swap3A_42, %swap3A_43] {strides = array<i32>} : memref<1x80xi32, #tpu.memory_space<vmem>>, vector<16xi32>,
    tpu.vector_store %arg9[%swap3A_42, %swap3A_43], %add3A_40 {strides = array<i32>} : memref<1x80xi32, #tpu.memory_space<vmem>>, vector<16xi32>,
    %barrier3A = arith.constant 0 : index
    tpu.barrier barrier_id(%barrier3A)
    %add3A_45 = arith.constant 0 : i32
    %add3A_46 = arith.addi %mul3A_4, %add3A_45 : i32
    %dma_start3A = arith.constant 0 : i32
    %dma_start3A_47 = arith.constant 0 : i32
    %dma_start3A_48 = arith.constant 0 : i32
    %dma_start3A_49 = arith.constant 0 : i32
    %dma_start3A_50 = tpu.memref_slice %arg7[%dma_start3A, %dma_start3A_48, %dma_start3A_49] : memref<3x2x128xi32, #tpu.memory_space<vmem>> -> memref<1x2x128xi32, #tpu.memory_space<vmem>>
    %dma_start3A_51 = tpu.memref_squeeze %dma_start3A_50 : memref<1x2x128xi32, #tpu.memory_space<vmem>> -> memref<2x128xi32, #tpu.memory_space<vmem>>
    %dma_start3A_52 = arith.constant 0 : i32
    %dma_start3A_53 = arith.constant 0 : i32
    %dma_start3A_54 = tpu.memref_slice %arg3[%add3A_46, %dma_start3A_52, %dma_start3A_53] : memref<2560x2x128xi32, #tpu.memory_space<hbm>> -> memref<1x2x128xi32, #tpu.memory_space<hbm>>
    %dma_start3A_55 = tpu.memref_squeeze %dma_start3A_54 : memref<1x2x128xi32, #tpu.memory_space<hbm>> -> memref<2x128xi32, #tpu.memory_space<hbm>>
    %dma_start3A_56 = tpu.memref_slice %arg11[%dma_start3A_47] : memref<3x!tpu.dma_semaphore, #tpu.memory_space<semaphore_mem>> -> memref<1x!tpu.dma_semaphore, #tpu.memory_space<semaphore_mem>>
    %dma_start3A_57 = tpu.memref_squeeze %dma_start3A_56 : memref<1x!tpu.dma_semaphore, #tpu.memory_space<semaphore_mem>> -> memref<!tpu.dma_semaphore, #tpu.memory_space<semaphore_mem>>
    %dma_start3A_58 = arith.constant 0 : i32
    %dma_start3A_59 = arith.constant 0 : i32
    %dma_start3A_60 = tpu.memref_slice %arg7[%dma_start3A, %dma_start3A_58, %dma_start3A_59] : memref<3x2x128xi32, #tpu.memory_space<vmem>> -> memref<1x2x128xi32, #tpu.memory_space<vmem>>
    %dma_start3A_61 = tpu.memref_squeeze %dma_start3A_60 : memref<1x2x128xi32, #tpu.memory_space<vmem>> -> memref<2x128xi32, #tpu.memory_space<vmem>>
    %dma_start3A_62 = arith.constant 0 : i32
    %dma_start3A_63 = arith.constant 0 : i32
    %dma_start3A_64 = tpu.memref_slice %arg3[%add3A_46, %dma_start3A_62, %dma_start3A_63] : memref<2560x2x128xi32, #tpu.memory_space<hbm>> -> memref<1x2x128xi32, #tpu.memory_space<hbm>>
    %dma_start3A_65 = tpu.memref_squeeze %dma_start3A_64 : memref<1x2x128xi32, #tpu.memory_space<hbm>> -> memref<2x128xi32, #tpu.memory_space<hbm>>
    tpu.enqueue_dma source(%dma_start3A_65 : memref<2x128xi32, #tpu.memory_space<hbm>>) target(%dma_start3A_61 : memref<2x128xi32, #tpu.memory_space<vmem>>) target_semaphore(%dma_start3A_57 : memref<!tpu.dma_semaphore, #tpu.memory_space<semaphore_mem>>)
    %add3A_66 = arith.constant 1 : i32
    %add3A_67 = arith.addi %mul3A_4, %add3A_66 : i32
    %dma_start3A_68 = arith.constant 1 : i32
    %dma_start3A_69 = arith.constant 1 : i32
    %dma_start3A_70 = arith.constant 0 : i32
    %dma_start3A_71 = arith.constant 0 : i32
    %dma_start3A_72 = tpu.memref_slice %arg7[%dma_start3A_68, %dma_start3A_70, %dma_start3A_71] : memref<3x2x128xi32, #tpu.memory_space<vmem>> -> memref<1x2x128xi32, #tpu.memory_space<vmem>>
    %dma_start3A_73 = tpu.memref_squeeze %dma_start3A_72 : memref<1x2x128xi32, #tpu.memory_space<vmem>> -> memref<2x128xi32, #tpu.memory_space<vmem>>
    %dma_start3A_74 = arith.constant 0 : i32
    %dma_start3A_75 = arith.constant 0 : i32
    %dma_start3A_76 = tpu.memref_slice %arg3[%add3A_67, %dma_start3A_74, %dma_start3A_75] : memref<2560x2x128xi32, #tpu.memory_space<hbm>> -> memref<1x2x128xi32, #tpu.memory_space<hbm>>
    %dma_start3A_77 = tpu.memref_squeeze %dma_start3A_76 : memref<1x2x128xi32, #tpu.memory_space<hbm>> -> memref<2x128xi32, #tpu.memory_space<hbm>>
    %dma_start3A_78 = tpu.memref_slice %arg11[%dma_start3A_69] : memref<3x!tpu.dma_semaphore, #tpu.memory_space<semaphore_mem>> -> memref<1x!tpu.dma_semaphore, #tpu.memory_space<semaphore_mem>>
    %dma_start3A_79 = tpu.memref_squeeze %dma_start3A_78 : memref<1x!tpu.dma_semaphore, #tpu.memory_space<semaphore_mem>> -> memref<!tpu.dma_semaphore, #tpu.memory_space<semaphore_mem>>
    %dma_start3A_80 = arith.constant 0 : i32
    %dma_start3A_81 = arith.constant 0 : i32
    %dma_start3A_82 = tpu.memref_slice %arg7[%dma_start3A_68, %dma_start3A_80, %dma_start3A_81] : memref<3x2x128xi32, #tpu.memory_space<vmem>> -> memref<1x2x128xi32, #tpu.memory_space<vmem>>
    %dma_start3A_83 = tpu.memref_squeeze %dma_start3A_82 : memref<1x2x128xi32, #tpu.memory_space<vmem>> -> memref<2x128xi32, #tpu.memory_space<vmem>>
    %dma_start3A_84 = arith.constant 0 : i32
    %dma_start3A_85 = arith.constant 0 : i32
    %dma_start3A_86 = tpu.memref_slice %arg3[%add3A_67, %dma_start3A_84, %dma_start3A_85] : memref<2560x2x128xi32, #tpu.memory_space<hbm>> -> memref<1x2x128xi32, #tpu.memory_space<hbm>>
    %dma_start3A_87 = tpu.memref_squeeze %dma_start3A_86 : memref<1x2x128xi32, #tpu.memory_space<hbm>> -> memref<2x128xi32, #tpu.memory_space<hbm>>
    tpu.enqueue_dma source(%dma_start3A_87 : memref<2x128xi32, #tpu.memory_space<hbm>>) target(%dma_start3A_83 : memref<2x128xi32, #tpu.memory_space<vmem>>) target_semaphore(%dma_start3A_79 : memref<!tpu.dma_semaphore, #tpu.memory_space<semaphore_mem>>)
    %add3A_88 = arith.constant 0 : i32
    %add3A_89 = arith.addi %mul3A_4, %add3A_88 : i32
    %dma_wait3A = arith.constant 0 : i32
    %dma_wait3A_90 = arith.constant 0 : i32
    %dma_wait3A_91 = arith.constant 0 : i32
    %dma_wait3A_92 = arith.constant 0 : i32
    %dma_wait3A_93 = tpu.memref_slice %arg7[%dma_wait3A, %dma_wait3A_91, %dma_wait3A_92] : memref<3x2x128xi32, #tpu.memory_space<vmem>> -> memref<1x2x128xi32, #tpu.memory_space<vmem>>
    %dma_wait3A_94 = tpu.memref_squeeze %dma_wait3A_93 : memref<1x2x128xi32, #tpu.memory_space<vmem>> -> memref<2x128xi32, #tpu.memory_space<vmem>>
    %dma_wait3A_95 = arith.constant 0 : i32
    %dma_wait3A_96 = arith.constant 0 : i32
    %dma_wait3A_97 = tpu.memref_slice %arg3[%add3A_89, %dma_wait3A_95, %dma_wait3A_96] : memref<2560x2x128xi32, #tpu.memory_space<hbm>> -> memref<1x2x128xi32, #tpu.memory_space<hbm>>
    %dma_wait3A_98 = tpu.memref_squeeze %dma_wait3A_97 : memref<1x2x128xi32, #tpu.memory_space<hbm>> -> memref<2x128xi32, #tpu.memory_space<hbm>>
    %dma_wait3A_99 = tpu.memref_slice %arg11[%dma_wait3A_90] : memref<3x!tpu.dma_semaphore, #tpu.memory_space<semaphore_mem>> -> memref<1x!tpu.dma_semaphore, #tpu.memory_space<semaphore_mem>>
    %dma_wait3A_100 = tpu.memref_squeeze %dma_wait3A_99 : memref<1x!tpu.dma_semaphore, #tpu.memory_space<semaphore_mem>> -> memref<!tpu.dma_semaphore, #tpu.memory_space<semaphore_mem>>
    %dma_wait3A_101 = arith.constant 0 : i32
    %dma_wait3A_102 = arith.constant 0 : i32
    %dma_wait3A_103 = tpu.memref_slice %arg7[%dma_wait3A, %dma_wait3A_101, %dma_wait3A_102] : memref<3x2x128xi32, #tpu.memory_space<vmem>> -> memref<1x2x128xi32, #tpu.memory_space<vmem>>
    %dma_wait3A_104 = tpu.memref_squeeze %dma_wait3A_103 : memref<1x2x128xi32, #tpu.memory_space<vmem>> -> memref<2x128xi32, #tpu.memory_space<vmem>>
    %dma_wait3A_105 = arith.constant 0 : i32
    %dma_wait3A_106 = arith.constant 0 : i32
    %dma_wait3A_107 = tpu.memref_slice %arg3[%add3A_89, %dma_wait3A_105, %dma_wait3A_106] : memref<2560x2x128xi32, #tpu.memory_space<hbm>> -> memref<1x2x128xi32, #tpu.memory_space<hbm>>
    %dma_wait3A_108 = tpu.memref_squeeze %dma_wait3A_107 : memref<1x2x128xi32, #tpu.memory_space<hbm>> -> memref<2x128xi32, #tpu.memory_space<hbm>>
    tpu.wait_dma2 semaphore(%dma_wait3A_100 : memref<!tpu.dma_semaphore, #tpu.memory_space<semaphore_mem>>) src(%dma_wait3A_108 : memref<2x128xi32, #tpu.memory_space<hbm>>) dst(%dma_wait3A_104 : memref<2x128xi32, #tpu.memory_space<vmem>>)
    %dma_start3A_109 = arith.constant 0 : i32
    %dma_start3A_110 = arith.constant 0 : i32
    %dma_start3A_111 = arith.constant 0 : i32
    %dma_start3A_112 = arith.constant 0 : i32
    %dma_start3A_113 = arith.constant 0 : i32
    %dma_start3A_114 = arith.constant 0 : i32
    %dma_start3A_115 = tpu.memref_slice %arg8[%dma_start3A_111, %dma_start3A_113, %dma_start3A_114] : memref<2x128x128xf32, #tpu.memory_space<vmem>> -> memref<1x128x128xf32, #tpu.memory_space<vmem>>
    %dma_start3A_116 = tpu.memref_squeeze %dma_start3A_115 : memref<1x128x128xf32, #tpu.memory_space<vmem>> -> memref<128x128xf32, #tpu.memory_space<vmem>>
    %dma_start3A_117 = arith.constant 0 : i32
    %dma_start3A_118 = tpu.memref_slice %arg7[%dma_start3A_109, %dma_start3A_110, %dma_start3A_117] : memref<3x2x128xi32, #tpu.memory_space<vmem>> -> memref<1x1x128xi32, #tpu.memory_space<vmem>>
    %dma_start3A_119 = tpu.memref_squeeze %dma_start3A_118 : memref<1x1x128xi32, #tpu.memory_space<vmem>> -> memref<128xi32, #tpu.memory_space<vmem>>
    %dma_start3A_120 = arith.constant 0 : i32
    %dma_start3A_121 = arith.constant 0 : i32
    %dma_start3A_122 = tpu.memref_slice %arg2[%dma_start3A_120, %dma_start3A_121] : memref<10240x128xf32, #tpu.memory_space<hbm>> -> memref<10240x128xf32, #tpu.memory_space<hbm>>
    %dma_start3A_123 = tpu.memref_slice %arg12[%dma_start3A_112] : memref<2x!tpu.dma_semaphore, #tpu.memory_space<semaphore_mem>> -> memref<1x!tpu.dma_semaphore, #tpu.memory_space<semaphore_mem>>
    %dma_start3A_124 = tpu.memref_squeeze %dma_start3A_123 : memref<1x!tpu.dma_semaphore, #tpu.memory_space<semaphore_mem>> -> memref<!tpu.dma_semaphore, #tpu.memory_space<semaphore_mem>>
    tpu.enqueue_indirect_dma source(%dma_start3A_122 : memref<10240x128xf32, #tpu.memory_space<hbm>>) target(%dma_start3A_116 : memref<128x128xf32, #tpu.memory_space<vmem>>) offsets(%dma_start3A_119 : memref<128xi32, #tpu.memory_space<vmem>>) semaphore(%dma_start3A_124 : memref<!tpu.dma_semaphore, #tpu.memory_space<semaphore_mem>>)
    %scan3A = arith.constant 0 : i32
    %scan3A_125 = arith.constant 0 : i32
    %scan3A_126 = arith.constant 80 : i32
    %scan3A_127 = arith.addi %scan3A_125, %scan3A_126 : i32
    %scan3A_128 = arith.constant 1 : i32
    scf.for %scan3A_152 = %scan3A_125 to %scan3A_127 step %scan3A_128  : i32 {
      %jit3A = arith.constant 3 : i32
      %eq3A_153 = arith.constant 0 : i32
      %eq3A_154 = arith.cmpi eq, %jit3A, %eq3A_153 : i32
      %jit3A_155 = arith.constant 1 : i32
      %select_n3A = arith.select %eq3A_154, %jit3A_155, %jit3A : i32
      %rem3A = arith.remsi %scan3A_152, %select_n3A : i32
      %ne3A = arith.constant 0 : i32
      %ne3A_156 = arith.cmpi ne, %rem3A, %ne3A : i32
      %lt3A = arith.constant 0 : i32
      %lt3A_157 = arith.cmpi slt, %rem3A, %lt3A : i32
      %lt3A_158 = arith.constant 0 : i32
      %lt3A_159 = arith.cmpi slt, %select_n3A, %lt3A_158 : i32
      %ne3A_160 = arith.xori %lt3A_157, %lt3A_159 : i1
      %and3A = arith.andi %ne3A_160, %ne3A_156 : i1
      %add3A_161 = arith.addi %rem3A, %select_n3A : i32
      %select_n3A_162 = arith.select %and3A, %add3A_161, %rem3A : i32
      %jit3A_163 = arith.constant 2 : i32
      %eq3A_164 = arith.constant 0 : i32
      %eq3A_165 = arith.cmpi eq, %jit3A_163, %eq3A_164 : i32
      %jit3A_166 = arith.constant 1 : i32
      %select_n3A_167 = arith.select %eq3A_165, %jit3A_166, %jit3A_163 : i32
      %rem3A_168 = arith.remsi %scan3A_152, %select_n3A_167 : i32
      %ne3A_169 = arith.constant 0 : i32
      %ne3A_170 = arith.cmpi ne, %rem3A_168, %ne3A_169 : i32
      %lt3A_171 = arith.constant 0 : i32
      %lt3A_172 = arith.cmpi slt, %rem3A_168, %lt3A_171 : i32
      %lt3A_173 = arith.constant 0 : i32
      %lt3A_174 = arith.cmpi slt, %select_n3A_167, %lt3A_173 : i32
      %ne3A_175 = arith.xori %lt3A_172, %lt3A_174 : i1
      %and3A_176 = arith.andi %ne3A_175, %ne3A_170 : i1
      %add3A_177 = arith.addi %rem3A_168, %select_n3A_167 : i32
      %select_n3A_178 = arith.select %and3A_176, %add3A_177, %rem3A_168 : i32
      %jit3A_179 = arith.constant 2 : i32
      %eq3A_180 = arith.constant 0 : i32
      %eq3A_181 = arith.cmpi eq, %jit3A_179, %eq3A_180 : i32
      %jit3A_182 = arith.constant 1 : i32
      %select_n3A_183 = arith.select %eq3A_181, %jit3A_182, %jit3A_179 : i32
      %rem3A_184 = arith.remsi %scan3A_152, %select_n3A_183 : i32
      %ne3A_185 = arith.constant 0 : i32
      %ne3A_186 = arith.cmpi ne, %rem3A_184, %ne3A_185 : i32
      %lt3A_187 = arith.constant 0 : i32
      %lt3A_188 = arith.cmpi slt, %rem3A_184, %lt3A_187 : i32
      %lt3A_189 = arith.constant 0 : i32
      %lt3A_190 = arith.cmpi slt, %select_n3A_183, %lt3A_189 : i32
      %ne3A_191 = arith.xori %lt3A_188, %lt3A_190 : i1
      %and3A_192 = arith.andi %ne3A_191, %ne3A_186 : i1
      %add3A_193 = arith.addi %rem3A_184, %select_n3A_183 : i32
      %select_n3A_194 = arith.select %and3A_192, %add3A_193, %rem3A_184 : i32
      %dma_wait3A_195 = arith.constant 0 : i32
      %dma_wait3A_196 = arith.constant 0 : i32
      %dma_wait3A_197 = arith.constant 0 : i32
      %dma_wait3A_198 = tpu.memref_slice %arg8[%select_n3A_178, %dma_wait3A_196, %dma_wait3A_197] : memref<2x128x128xf32, #tpu.memory_space<vmem>> -> memref<1x128x128xf32, #tpu.memory_space<vmem>>
      %dma_wait3A_199 = tpu.memref_squeeze %dma_wait3A_198 : memref<1x128x128xf32, #tpu.memory_space<vmem>> -> memref<128x128xf32, #tpu.memory_space<vmem>>
      %dma_wait3A_200 = arith.constant 0 : i32
      %dma_wait3A_201 = tpu.memref_slice %arg7[%select_n3A_162, %dma_wait3A_195, %dma_wait3A_200] : memref<3x2x128xi32, #tpu.memory_space<vmem>> -> memref<1x1x128xi32, #tpu.memory_space<vmem>>
      %dma_wait3A_202 = tpu.memref_squeeze %dma_wait3A_201 : memref<1x1x128xi32, #tpu.memory_space<vmem>> -> memref<128xi32, #tpu.memory_space<vmem>>
      %dma_wait3A_203 = arith.constant 0 : i32
      %dma_wait3A_204 = arith.constant 0 : i32
      %dma_wait3A_205 = tpu.memref_slice %arg2[%dma_wait3A_203, %dma_wait3A_204] : memref<10240x128xf32, #tpu.memory_space<hbm>> -> memref<10240x128xf32, #tpu.memory_space<hbm>>
      %dma_wait3A_206 = tpu.memref_slice %arg12[%select_n3A_194] : memref<2x!tpu.dma_semaphore, #tpu.memory_space<semaphore_mem>> -> memref<1x!tpu.dma_semaphore, #tpu.memory_space<semaphore_mem>>
      %dma_wait3A_207 = tpu.memref_squeeze %dma_wait3A_206 : memref<1x!tpu.dma_semaphore, #tpu.memory_space<semaphore_mem>> -> memref<!tpu.dma_semaphore, #tpu.memory_space<semaphore_mem>>
      tpu.wait_indirect_dma semaphore(%dma_wait3A_207 : memref<!tpu.dma_semaphore, #tpu.memory_space<semaphore_mem>>) src(%dma_wait3A_205 : memref<10240x128xf32, #tpu.memory_space<hbm>>) dst(%dma_wait3A_199 : memref<128x128xf32, #tpu.memory_space<vmem>>)
      %ge3A = arith.constant 1 : i32
      %ge3A_208 = arith.cmpi sge, %scan3A_152, %ge3A : i32
      %convert_element_type3A_209 = arith.extui %ge3A_208 : i1 to i32
      %cond3A_210 = arith.constant 0 : i32
      %cond3A_211 = arith.cmpi ne, %convert_element_type3A_209, %cond3A_210 : i32
      scf.if %cond3A_211 {
        %sub3A = arith.constant 1 : i32
        %sub3A_427 = arith.subi %scan3A_152, %sub3A : i32
        %jit3A_428 = arith.constant 2 : i32
        %eq3A_429 = arith.constant 0 : i32
        %eq3A_430 = arith.cmpi eq, %jit3A_428, %eq3A_429 : i32
        %jit3A_431 = arith.constant 1 : i32
        %select_n3A_432 = arith.select %eq3A_430, %jit3A_431, %jit3A_428 : i32
        %rem3A_433 = arith.remsi %sub3A_427, %select_n3A_432 : i32
        %ne3A_434 = arith.constant 0 : i32
        %ne3A_435 = arith.cmpi ne, %rem3A_433, %ne3A_434 : i32
        %lt3A_436 = arith.constant 0 : i32
        %lt3A_437 = arith.cmpi slt, %rem3A_433, %lt3A_436 : i32
        %lt3A_438 = arith.constant 0 : i32
        %lt3A_439 = arith.cmpi slt, %select_n3A_432, %lt3A_438 : i32
        %ne3A_440 = arith.xori %lt3A_437, %lt3A_439 : i1
        %and3A_441 = arith.andi %ne3A_440, %ne3A_435 : i1
        %add3A_442 = arith.addi %rem3A_433, %select_n3A_432 : i32
        %select_n3A_443 = arith.select %and3A_441, %add3A_442, %rem3A_433 : i32
        %jit3A_444 = arith.constant 3 : i32
        %eq3A_445 = arith.constant 0 : i32
        %eq3A_446 = arith.cmpi eq, %jit3A_444, %eq3A_445 : i32
        %jit3A_447 = arith.constant 1 : i32
        %select_n3A_448 = arith.select %eq3A_446, %jit3A_447, %jit3A_444 : i32
        %rem3A_449 = arith.remsi %sub3A_427, %select_n3A_448 : i32
        %ne3A_450 = arith.constant 0 : i32
        %ne3A_451 = arith.cmpi ne, %rem3A_449, %ne3A_450 : i32
        %lt3A_452 = arith.constant 0 : i32
        %lt3A_453 = arith.cmpi slt, %rem3A_449, %lt3A_452 : i32
        %lt3A_454 = arith.constant 0 : i32
        %lt3A_455 = arith.cmpi slt, %select_n3A_448, %lt3A_454 : i32
        %ne3A_456 = arith.xori %lt3A_453, %lt3A_455 : i1
        %and3A_457 = arith.andi %ne3A_456, %ne3A_451 : i1
        %add3A_458 = arith.addi %rem3A_449, %select_n3A_448 : i32
        %select_n3A_459 = arith.select %and3A_457, %add3A_458, %rem3A_449 : i32
        %jit3A_460 = arith.constant 2 : i32
        %eq3A_461 = arith.constant 0 : i32
        %eq3A_462 = arith.cmpi eq, %jit3A_460, %eq3A_461 : i32
        %jit3A_463 = arith.constant 1 : i32
        %select_n3A_464 = arith.select %eq3A_462, %jit3A_463, %jit3A_460 : i32
        %rem3A_465 = arith.remsi %sub3A_427, %select_n3A_464 : i32
        %ne3A_466 = arith.constant 0 : i32
        %ne3A_467 = arith.cmpi ne, %rem3A_465, %ne3A_466 : i32
        %lt3A_468 = arith.constant 0 : i32
        %lt3A_469 = arith.cmpi slt, %rem3A_465, %lt3A_468 : i32
        %lt3A_470 = arith.constant 0 : i32
        %lt3A_471 = arith.cmpi slt, %select_n3A_464, %lt3A_470 : i32
        %ne3A_472 = arith.xori %lt3A_469, %lt3A_471 : i1
        %and3A_473 = arith.andi %ne3A_472, %ne3A_467 : i1
        %add3A_474 = arith.addi %rem3A_465, %select_n3A_464 : i32
        %select_n3A_475 = arith.select %and3A_473, %add3A_474, %rem3A_465 : i32
        %dma_wait3A_476 = arith.constant 1 : i32
        %dma_wait3A_477 = arith.constant 0 : i32
        %dma_wait3A_478 = arith.constant 0 : i32
        %dma_wait3A_479 = tpu.memref_slice %arg8[%select_n3A_443, %dma_wait3A_477, %dma_wait3A_478] : memref<2x128x128xf32, #tpu.memory_space<vmem>> -> memref<1x128x128xf32, #tpu.memory_space<vmem>>
        %dma_wait3A_480 = tpu.memref_squeeze %dma_wait3A_479 : memref<1x128x128xf32, #tpu.memory_space<vmem>> -> memref<128x128xf32, #tpu.memory_space<vmem>>
        %dma_wait3A_481 = arith.constant 0 : i32
        %dma_wait3A_482 = tpu.memref_slice %arg7[%select_n3A_459, %dma_wait3A_476, %dma_wait3A_481] : memref<3x2x128xi32, #tpu.memory_space<vmem>> -> memref<1x1x128xi32, #tpu.memory_space<vmem>>
        %dma_wait3A_483 = tpu.memref_squeeze %dma_wait3A_482 : memref<1x1x128xi32, #tpu.memory_space<vmem>> -> memref<128xi32, #tpu.memory_space<vmem>>
        %dma_wait3A_484 = arith.constant 0 : i32
        %dma_wait3A_485 = arith.constant 0 : i32
        %dma_wait3A_486 = tpu.memref_slice %arg14[%dma_wait3A_484, %dma_wait3A_485] : memref<10240x128xf32, #tpu.memory_space<vmem_shared>> -> memref<10240x128xf32, #tpu.memory_space<vmem_shared>>
        %dma_wait3A_487 = tpu.memref_slice %arg13[%select_n3A_475] : memref<2x!tpu.dma_semaphore, #tpu.memory_space<semaphore_mem>> -> memref<1x!tpu.dma_semaphore, #tpu.memory_space<semaphore_mem>>
        %dma_wait3A_488 = tpu.memref_squeeze %dma_wait3A_487 : memref<1x!tpu.dma_semaphore, #tpu.memory_space<semaphore_mem>> -> memref<!tpu.dma_semaphore, #tpu.memory_space<semaphore_mem>>
        tpu.wait_indirect_dma semaphore(%dma_wait3A_488 : memref<!tpu.dma_semaphore, #tpu.memory_space<semaphore_mem>>) src(%dma_wait3A_480 : memref<128x128xf32, #tpu.memory_space<vmem>>) dst(%dma_wait3A_486 : memref<10240x128xf32, #tpu.memory_space<vmem_shared>>)
      } else {
      }
      %add3A_212 = arith.constant 1 : i32
      %add3A_213 = arith.addi %scan3A_152, %add3A_212 : i32
      %lt3A_214 = arith.constant 80 : i32
      %lt3A_215 = arith.cmpi slt, %add3A_213, %lt3A_214 : i32
      %convert_element_type3A_216 = arith.extui %lt3A_215 : i1 to i32
      %cond3A_217 = arith.constant 0 : i32
      %cond3A_218 = arith.cmpi ne, %convert_element_type3A_216, %cond3A_217 : i32
      scf.if %cond3A_218 {
        %add3A_427 = arith.constant 1 : i32
        %add3A_428 = arith.addi %scan3A_152, %add3A_427 : i32
        %add3A_429 = arith.addi %mul3A_4, %add3A_428 : i32
        %jit3A_430 = arith.constant 3 : i32
        %eq3A_431 = arith.constant 0 : i32
        %eq3A_432 = arith.cmpi eq, %jit3A_430, %eq3A_431 : i32
        %jit3A_433 = arith.constant 1 : i32
        %select_n3A_434 = arith.select %eq3A_432, %jit3A_433, %jit3A_430 : i32
        %rem3A_435 = arith.remsi %add3A_428, %select_n3A_434 : i32
        %ne3A_436 = arith.constant 0 : i32
        %ne3A_437 = arith.cmpi ne, %rem3A_435, %ne3A_436 : i32
        %lt3A_438 = arith.constant 0 : i32
        %lt3A_439 = arith.cmpi slt, %rem3A_435, %lt3A_438 : i32
        %lt3A_440 = arith.constant 0 : i32
        %lt3A_441 = arith.cmpi slt, %select_n3A_434, %lt3A_440 : i32
        %ne3A_442 = arith.xori %lt3A_439, %lt3A_441 : i1
        %and3A_443 = arith.andi %ne3A_442, %ne3A_437 : i1
        %add3A_444 = arith.addi %rem3A_435, %select_n3A_434 : i32
        %select_n3A_445 = arith.select %and3A_443, %add3A_444, %rem3A_435 : i32
        %jit3A_446 = arith.constant 3 : i32
        %eq3A_447 = arith.constant 0 : i32
        %eq3A_448 = arith.cmpi eq, %jit3A_446, %eq3A_447 : i32
        %jit3A_449 = arith.constant 1 : i32
        %select_n3A_450 = arith.select %eq3A_448, %jit3A_449, %jit3A_446 : i32
        %rem3A_451 = arith.remsi %add3A_428, %select_n3A_450 : i32
        %ne3A_452 = arith.constant 0 : i32
        %ne3A_453 = arith.cmpi ne, %rem3A_451, %ne3A_452 : i32
        %lt3A_454 = arith.constant 0 : i32
        %lt3A_455 = arith.cmpi slt, %rem3A_451, %lt3A_454 : i32
        %lt3A_456 = arith.constant 0 : i32
        %lt3A_457 = arith.cmpi slt, %select_n3A_450, %lt3A_456 : i32
        %ne3A_458 = arith.xori %lt3A_455, %lt3A_457 : i1
        %and3A_459 = arith.andi %ne3A_458, %ne3A_453 : i1
        %add3A_460 = arith.addi %rem3A_451, %select_n3A_450 : i32
        %select_n3A_461 = arith.select %and3A_459, %add3A_460, %rem3A_451 : i32
        %dma_wait3A_462 = arith.constant 0 : i32
        %dma_wait3A_463 = arith.constant 0 : i32
        %dma_wait3A_464 = tpu.memref_slice %arg7[%select_n3A_445, %dma_wait3A_462, %dma_wait3A_463] : memref<3x2x128xi32, #tpu.memory_space<vmem>> -> memref<1x2x128xi32, #tpu.memory_space<vmem>>
        %dma_wait3A_465 = tpu.memref_squeeze %dma_wait3A_464 : memref<1x2x128xi32, #tpu.memory_space<vmem>> -> memref<2x128xi32, #tpu.memory_space<vmem>>
        %dma_wait3A_466 = arith.constant 0 : i32
        %dma_wait3A_467 = arith.constant 0 : i32
        %dma_wait3A_468 = tpu.memref_slice %arg3[%add3A_429, %dma_wait3A_466, %dma_wait3A_467] : memref<2560x2x128xi32, #tpu.memory_space<hbm>> -> memref<1x2x128xi32, #tpu.memory_space<hbm>>
        %dma_wait3A_469 = tpu.memref_squeeze %dma_wait3A_468 : memref<1x2x128xi32, #tpu.memory_space<hbm>> -> memref<2x128xi32, #tpu.memory_space<hbm>>
        %dma_wait3A_470 = tpu.memref_slice %arg11[%select_n3A_461] : memref<3x!tpu.dma_semaphore, #tpu.memory_space<semaphore_mem>> -> memref<1x!tpu.dma_semaphore, #tpu.memory_space<semaphore_mem>>
        %dma_wait3A_471 = tpu.memref_squeeze %dma_wait3A_470 : memref<1x!tpu.dma_semaphore, #tpu.memory_space<semaphore_mem>> -> memref<!tpu.dma_semaphore, #tpu.memory_space<semaphore_mem>>
        %dma_wait3A_472 = arith.constant 0 : i32
        %dma_wait3A_473 = arith.constant 0 : i32
        %dma_wait3A_474 = tpu.memref_slice %arg7[%select_n3A_445, %dma_wait3A_472, %dma_wait3A_473] : memref<3x2x128xi32, #tpu.memory_space<vmem>> -> memref<1x2x128xi32, #tpu.memory_space<vmem>>
        %dma_wait3A_475 = tpu.memref_squeeze %dma_wait3A_474 : memref<1x2x128xi32, #tpu.memory_space<vmem>> -> memref<2x128xi32, #tpu.memory_space<vmem>>
        %dma_wait3A_476 = arith.constant 0 : i32
        %dma_wait3A_477 = arith.constant 0 : i32
        %dma_wait3A_478 = tpu.memref_slice %arg3[%add3A_429, %dma_wait3A_476, %dma_wait3A_477] : memref<2560x2x128xi32, #tpu.memory_space<hbm>> -> memref<1x2x128xi32, #tpu.memory_space<hbm>>
        %dma_wait3A_479 = tpu.memref_squeeze %dma_wait3A_478 : memref<1x2x128xi32, #tpu.memory_space<hbm>> -> memref<2x128xi32, #tpu.memory_space<hbm>>
        tpu.wait_dma2 semaphore(%dma_wait3A_471 : memref<!tpu.dma_semaphore, #tpu.memory_space<semaphore_mem>>) src(%dma_wait3A_479 : memref<2x128xi32, #tpu.memory_space<hbm>>) dst(%dma_wait3A_475 : memref<2x128xi32, #tpu.memory_space<vmem>>)
        %add3A_480 = arith.constant 1 : i32
        %add3A_481 = arith.addi %scan3A_152, %add3A_480 : i32
        %jit3A_482 = arith.constant 3 : i32
        %eq3A_483 = arith.constant 0 : i32
        %eq3A_484 = arith.cmpi eq, %jit3A_482, %eq3A_483 : i32
        %jit3A_485 = arith.constant 1 : i32
        %select_n3A_486 = arith.select %eq3A_484, %jit3A_485, %jit3A_482 : i32
        %rem3A_487 = arith.remsi %add3A_481, %select_n3A_486 : i32
        %ne3A_488 = arith.constant 0 : i32
        %ne3A_489 = arith.cmpi ne, %rem3A_487, %ne3A_488 : i32
        %lt3A_490 = arith.constant 0 : i32
        %lt3A_491 = arith.cmpi slt, %rem3A_487, %lt3A_490 : i32
        %lt3A_492 = arith.constant 0 : i32
        %lt3A_493 = arith.cmpi slt, %select_n3A_486, %lt3A_492 : i32
        %ne3A_494 = arith.xori %lt3A_491, %lt3A_493 : i1
        %and3A_495 = arith.andi %ne3A_494, %ne3A_489 : i1
        %add3A_496 = arith.addi %rem3A_487, %select_n3A_486 : i32
        %select_n3A_497 = arith.select %and3A_495, %add3A_496, %rem3A_487 : i32
        %jit3A_498 = arith.constant 2 : i32
        %eq3A_499 = arith.constant 0 : i32
        %eq3A_500 = arith.cmpi eq, %jit3A_498, %eq3A_499 : i32
        %jit3A_501 = arith.constant 1 : i32
        %select_n3A_502 = arith.select %eq3A_500, %jit3A_501, %jit3A_498 : i32
        %rem3A_503 = arith.remsi %add3A_481, %select_n3A_502 : i32
        %ne3A_504 = arith.constant 0 : i32
        %ne3A_505 = arith.cmpi ne, %rem3A_503, %ne3A_504 : i32
        %lt3A_506 = arith.constant 0 : i32
        %lt3A_507 = arith.cmpi slt, %rem3A_503, %lt3A_506 : i32
        %lt3A_508 = arith.constant 0 : i32
        %lt3A_509 = arith.cmpi slt, %select_n3A_502, %lt3A_508 : i32
        %ne3A_510 = arith.xori %lt3A_507, %lt3A_509 : i1
        %and3A_511 = arith.andi %ne3A_510, %ne3A_505 : i1
        %add3A_512 = arith.addi %rem3A_503, %select_n3A_502 : i32
        %select_n3A_513 = arith.select %and3A_511, %add3A_512, %rem3A_503 : i32
        %jit3A_514 = arith.constant 2 : i32
        %eq3A_515 = arith.constant 0 : i32
        %eq3A_516 = arith.cmpi eq, %jit3A_514, %eq3A_515 : i32
        %jit3A_517 = arith.constant 1 : i32
        %select_n3A_518 = arith.select %eq3A_516, %jit3A_517, %jit3A_514 : i32
        %rem3A_519 = arith.remsi %add3A_481, %select_n3A_518 : i32
        %ne3A_520 = arith.constant 0 : i32
        %ne3A_521 = arith.cmpi ne, %rem3A_519, %ne3A_520 : i32
        %lt3A_522 = arith.constant 0 : i32
        %lt3A_523 = arith.cmpi slt, %rem3A_519, %lt3A_522 : i32
        %lt3A_524 = arith.constant 0 : i32
        %lt3A_525 = arith.cmpi slt, %select_n3A_518, %lt3A_524 : i32
        %ne3A_526 = arith.xori %lt3A_523, %lt3A_525 : i1
        %and3A_527 = arith.andi %ne3A_526, %ne3A_521 : i1
        %add3A_528 = arith.addi %rem3A_519, %select_n3A_518 : i32
        %select_n3A_529 = arith.select %and3A_527, %add3A_528, %rem3A_519 : i32
        %dma_start3A_530 = arith.constant 0 : i32
        %dma_start3A_531 = arith.constant 0 : i32
        %dma_start3A_532 = arith.constant 0 : i32
        %dma_start3A_533 = tpu.memref_slice %arg8[%select_n3A_513, %dma_start3A_531, %dma_start3A_532] : memref<2x128x128xf32, #tpu.memory_space<vmem>> -> memref<1x128x128xf32, #tpu.memory_space<vmem>>
        %dma_start3A_534 = tpu.memref_squeeze %dma_start3A_533 : memref<1x128x128xf32, #tpu.memory_space<vmem>> -> memref<128x128xf32, #tpu.memory_space<vmem>>
        %dma_start3A_535 = arith.constant 0 : i32
        %dma_start3A_536 = tpu.memref_slice %arg7[%select_n3A_497, %dma_start3A_530, %dma_start3A_535] : memref<3x2x128xi32, #tpu.memory_space<vmem>> -> memref<1x1x128xi32, #tpu.memory_space<vmem>>
        %dma_start3A_537 = tpu.memref_squeeze %dma_start3A_536 : memref<1x1x128xi32, #tpu.memory_space<vmem>> -> memref<128xi32, #tpu.memory_space<vmem>>
        %dma_start3A_538 = arith.constant 0 : i32
        %dma_start3A_539 = arith.constant 0 : i32
        %dma_start3A_540 = tpu.memref_slice %arg2[%dma_start3A_538, %dma_start3A_539] : memref<10240x128xf32, #tpu.memory_space<hbm>> -> memref<10240x128xf32, #tpu.memory_space<hbm>>
        %dma_start3A_541 = tpu.memref_slice %arg12[%select_n3A_529] : memref<2x!tpu.dma_semaphore, #tpu.memory_space<semaphore_mem>> -> memref<1x!tpu.dma_semaphore, #tpu.memory_space<semaphore_mem>>
        %dma_start3A_542 = tpu.memref_squeeze %dma_start3A_541 : memref<1x!tpu.dma_semaphore, #tpu.memory_space<semaphore_mem>> -> memref<!tpu.dma_semaphore, #tpu.memory_space<semaphore_mem>>
        tpu.enqueue_indirect_dma source(%dma_start3A_540 : memref<10240x128xf32, #tpu.memory_space<hbm>>) target(%dma_start3A_534 : memref<128x128xf32, #tpu.memory_space<vmem>>) offsets(%dma_start3A_537 : memref<128xi32, #tpu.memory_space<vmem>>) semaphore(%dma_start3A_542 : memref<!tpu.dma_semaphore, #tpu.memory_space<semaphore_mem>>)
      } else {
      }
      %jit3A_219 = arith.constant 2 : i32
      %eq3A_220 = arith.constant 0 : i32
      %eq3A_221 = arith.cmpi eq, %jit3A_219, %eq3A_220 : i32
      %jit3A_222 = arith.constant 1 : i32
      %select_n3A_223 = arith.select %eq3A_221, %jit3A_222, %jit3A_219 : i32
      %rem3A_224 = arith.remsi %scan3A_152, %select_n3A_223 : i32
      %ne3A_225 = arith.constant 0 : i32
      %ne3A_226 = arith.cmpi ne, %rem3A_224, %ne3A_225 : i32
      %lt3A_227 = arith.constant 0 : i32
      %lt3A_228 = arith.cmpi slt, %rem3A_224, %lt3A_227 : i32
      %lt3A_229 = arith.constant 0 : i32
      %lt3A_230 = arith.cmpi slt, %select_n3A_223, %lt3A_229 : i32
      %ne3A_231 = arith.xori %lt3A_228, %lt3A_230 : i1
      %and3A_232 = arith.andi %ne3A_231, %ne3A_226 : i1
      %add3A_233 = arith.addi %rem3A_224, %select_n3A_223 : i32
      %select_n3A_234 = arith.select %and3A_232, %add3A_233, %rem3A_224 : i32
      %jit3A_235 = arith.constant 3 : i32
      %eq3A_236 = arith.constant 0 : i32
      %eq3A_237 = arith.cmpi eq, %jit3A_235, %eq3A_236 : i32
      %jit3A_238 = arith.constant 1 : i32
      %select_n3A_239 = arith.select %eq3A_237, %jit3A_238, %jit3A_235 : i32
      %rem3A_240 = arith.remsi %scan3A_152, %select_n3A_239 : i32
      %ne3A_241 = arith.constant 0 : i32
      %ne3A_242 = arith.cmpi ne, %rem3A_240, %ne3A_241 : i32
      %lt3A_243 = arith.constant 0 : i32
      %lt3A_244 = arith.cmpi slt, %rem3A_240, %lt3A_243 : i32
      %lt3A_245 = arith.constant 0 : i32
      %lt3A_246 = arith.cmpi slt, %select_n3A_239, %lt3A_245 : i32
      %ne3A_247 = arith.xori %lt3A_244, %lt3A_246 : i1
      %and3A_248 = arith.andi %ne3A_247, %ne3A_242 : i1
      %add3A_249 = arith.addi %rem3A_240, %select_n3A_239 : i32
      %select_n3A_250 = arith.select %and3A_248, %add3A_249, %rem3A_240 : i32
      %jit3A_251 = arith.constant 2 : i32
      %eq3A_252 = arith.constant 0 : i32
      %eq3A_253 = arith.cmpi eq, %jit3A_251, %eq3A_252 : i32
      %jit3A_254 = arith.constant 1 : i32
      %select_n3A_255 = arith.select %eq3A_253, %jit3A_254, %jit3A_251 : i32
      %rem3A_256 = arith.remsi %scan3A_152, %select_n3A_255 : i32
      %ne3A_257 = arith.constant 0 : i32
      %ne3A_258 = arith.cmpi ne, %rem3A_256, %ne3A_257 : i32
      %lt3A_259 = arith.constant 0 : i32
      %lt3A_260 = arith.cmpi slt, %rem3A_256, %lt3A_259 : i32
      %lt3A_261 = arith.constant 0 : i32
      %lt3A_262 = arith.cmpi slt, %select_n3A_255, %lt3A_261 : i32
      %ne3A_263 = arith.xori %lt3A_260, %lt3A_262 : i1
      %and3A_264 = arith.andi %ne3A_263, %ne3A_258 : i1
      %add3A_265 = arith.addi %rem3A_256, %select_n3A_255 : i32
      %select_n3A_266 = arith.select %and3A_264, %add3A_265, %rem3A_256 : i32
      %dma_start3A_267 = arith.constant 1 : i32
      %dma_start3A_268 = arith.constant 0 : i32
      %dma_start3A_269 = arith.constant 0 : i32
      %dma_start3A_270 = tpu.memref_slice %arg8[%select_n3A_234, %dma_start3A_268, %dma_start3A_269] : memref<2x128x128xf32, #tpu.memory_space<vmem>> -> memref<1x128x128xf32, #tpu.memory_space<vmem>>
      %dma_start3A_271 = tpu.memref_squeeze %dma_start3A_270 : memref<1x128x128xf32, #tpu.memory_space<vmem>> -> memref<128x128xf32, #tpu.memory_space<vmem>>
      %dma_start3A_272 = arith.constant 0 : i32
      %dma_start3A_273 = tpu.memref_slice %arg7[%select_n3A_250, %dma_start3A_267, %dma_start3A_272] : memref<3x2x128xi32, #tpu.memory_space<vmem>> -> memref<1x1x128xi32, #tpu.memory_space<vmem>>
      %dma_start3A_274 = tpu.memref_squeeze %dma_start3A_273 : memref<1x1x128xi32, #tpu.memory_space<vmem>> -> memref<128xi32, #tpu.memory_space<vmem>>
      %dma_start3A_275 = arith.constant 0 : i32
      %dma_start3A_276 = arith.constant 0 : i32
      %dma_start3A_277 = tpu.memref_slice %arg14[%dma_start3A_275, %dma_start3A_276] : memref<10240x128xf32, #tpu.memory_space<vmem_shared>> -> memref<10240x128xf32, #tpu.memory_space<vmem_shared>>
      %dma_start3A_278 = tpu.memref_slice %arg13[%select_n3A_266] : memref<2x!tpu.dma_semaphore, #tpu.memory_space<semaphore_mem>> -> memref<1x!tpu.dma_semaphore, #tpu.memory_space<semaphore_mem>>
      %dma_start3A_279 = tpu.memref_squeeze %dma_start3A_278 : memref<1x!tpu.dma_semaphore, #tpu.memory_space<semaphore_mem>> -> memref<!tpu.dma_semaphore, #tpu.memory_space<semaphore_mem>>
      tpu.enqueue_indirect_dma source(%dma_start3A_271 : memref<128x128xf32, #tpu.memory_space<vmem>>) target(%dma_start3A_277 : memref<10240x128xf32, #tpu.memory_space<vmem_shared>>) offsets(%dma_start3A_274 : memref<128xi32, #tpu.memory_space<vmem>>) semaphore(%dma_start3A_279 : memref<!tpu.dma_semaphore, #tpu.memory_space<semaphore_mem>>) {add = true}
      %add3A_280 = arith.constant 2 : i32
      %add3A_281 = arith.addi %scan3A_152, %add3A_280 : i32
      %lt3A_282 = arith.constant 80 : i32
      %lt3A_283 = arith.cmpi slt, %add3A_281, %lt3A_282 : i32
      %convert_element_type3A_284 = arith.extui %lt3A_283 : i1 to i32
      %cond3A_285 = arith.constant 0 : i32
      %cond3A_286 = arith.cmpi ne, %convert_element_type3A_284, %cond3A_285 : i32
      scf.if %cond3A_286 {
        %add3A_427 = arith.constant 2 : i32
        %add3A_428 = arith.addi %scan3A_152, %add3A_427 : i32
        %add3A_429 = arith.addi %mul3A_4, %add3A_428 : i32
        %jit3A_430 = arith.constant 3 : i32
        %eq3A_431 = arith.constant 0 : i32
        %eq3A_432 = arith.cmpi eq, %jit3A_430, %eq3A_431 : i32
        %jit3A_433 = arith.constant 1 : i32
        %select_n3A_434 = arith.select %eq3A_432, %jit3A_433, %jit3A_430 : i32
        %rem3A_435 = arith.remsi %add3A_428, %select_n3A_434 : i32
        %ne3A_436 = arith.constant 0 : i32
        %ne3A_437 = arith.cmpi ne, %rem3A_435, %ne3A_436 : i32
        %lt3A_438 = arith.constant 0 : i32
        %lt3A_439 = arith.cmpi slt, %rem3A_435, %lt3A_438 : i32
        %lt3A_440 = arith.constant 0 : i32
        %lt3A_441 = arith.cmpi slt, %select_n3A_434, %lt3A_440 : i32
        %ne3A_442 = arith.xori %lt3A_439, %lt3A_441 : i1
        %and3A_443 = arith.andi %ne3A_442, %ne3A_437 : i1
        %add3A_444 = arith.addi %rem3A_435, %select_n3A_434 : i32
        %select_n3A_445 = arith.select %and3A_443, %add3A_444, %rem3A_435 : i32
        %jit3A_446 = arith.constant 3 : i32
        %eq3A_447 = arith.constant 0 : i32
        %eq3A_448 = arith.cmpi eq, %jit3A_446, %eq3A_447 : i32
        %jit3A_449 = arith.constant 1 : i32
        %select_n3A_450 = arith.select %eq3A_448, %jit3A_449, %jit3A_446 : i32
        %rem3A_451 = arith.remsi %add3A_428, %select_n3A_450 : i32
        %ne3A_452 = arith.constant 0 : i32
        %ne3A_453 = arith.cmpi ne, %rem3A_451, %ne3A_452 : i32
        %lt3A_454 = arith.constant 0 : i32
        %lt3A_455 = arith.cmpi slt, %rem3A_451, %lt3A_454 : i32
        %lt3A_456 = arith.constant 0 : i32
        %lt3A_457 = arith.cmpi slt, %select_n3A_450, %lt3A_456 : i32
        %ne3A_458 = arith.xori %lt3A_455, %lt3A_457 : i1
        %and3A_459 = arith.andi %ne3A_458, %ne3A_453 : i1
        %add3A_460 = arith.addi %rem3A_451, %select_n3A_450 : i32
        %select_n3A_461 = arith.select %and3A_459, %add3A_460, %rem3A_451 : i32
        %dma_start3A_462 = arith.constant 0 : i32
        %dma_start3A_463 = arith.constant 0 : i32
        %dma_start3A_464 = tpu.memref_slice %arg7[%select_n3A_445, %dma_start3A_462, %dma_start3A_463] : memref<3x2x128xi32, #tpu.memory_space<vmem>> -> memref<1x2x128xi32, #tpu.memory_space<vmem>>
        %dma_start3A_465 = tpu.memref_squeeze %dma_start3A_464 : memref<1x2x128xi32, #tpu.memory_space<vmem>> -> memref<2x128xi32, #tpu.memory_space<vmem>>
        %dma_start3A_466 = arith.constant 0 : i32
        %dma_start3A_467 = arith.constant 0 : i32
        %dma_start3A_468 = tpu.memref_slice %arg3[%add3A_429, %dma_start3A_466, %dma_start3A_467] : memref<2560x2x128xi32, #tpu.memory_space<hbm>> -> memref<1x2x128xi32, #tpu.memory_space<hbm>>
        %dma_start3A_469 = tpu.memref_squeeze %dma_start3A_468 : memref<1x2x128xi32, #tpu.memory_space<hbm>> -> memref<2x128xi32, #tpu.memory_space<hbm>>
        %dma_start3A_470 = tpu.memref_slice %arg11[%select_n3A_461] : memref<3x!tpu.dma_semaphore, #tpu.memory_space<semaphore_mem>> -> memref<1x!tpu.dma_semaphore, #tpu.memory_space<semaphore_mem>>
        %dma_start3A_471 = tpu.memref_squeeze %dma_start3A_470 : memref<1x!tpu.dma_semaphore, #tpu.memory_space<semaphore_mem>> -> memref<!tpu.dma_semaphore, #tpu.memory_space<semaphore_mem>>
        %dma_start3A_472 = arith.constant 0 : i32
        %dma_start3A_473 = arith.constant 0 : i32
        %dma_start3A_474 = tpu.memref_slice %arg7[%select_n3A_445, %dma_start3A_472, %dma_start3A_473] : memref<3x2x128xi32, #tpu.memory_space<vmem>> -> memref<1x2x128xi32, #tpu.memory_space<vmem>>
        %dma_start3A_475 = tpu.memref_squeeze %dma_start3A_474 : memref<1x2x128xi32, #tpu.memory_space<vmem>> -> memref<2x128xi32, #tpu.memory_space<vmem>>
        %dma_start3A_476 = arith.constant 0 : i32
        %dma_start3A_477 = arith.constant 0 : i32
        %dma_start3A_478 = tpu.memref_slice %arg3[%add3A_429, %dma_start3A_476, %dma_start3A_477] : memref<2560x2x128xi32, #tpu.memory_space<hbm>> -> memref<1x2x128xi32, #tpu.memory_space<hbm>>
        %dma_start3A_479 = tpu.memref_squeeze %dma_start3A_478 : memref<1x2x128xi32, #tpu.memory_space<hbm>> -> memref<2x128xi32, #tpu.memory_space<hbm>>
        tpu.enqueue_dma source(%dma_start3A_479 : memref<2x128xi32, #tpu.memory_space<hbm>>) target(%dma_start3A_475 : memref<2x128xi32, #tpu.memory_space<vmem>>) target_semaphore(%dma_start3A_471 : memref<!tpu.dma_semaphore, #tpu.memory_space<semaphore_mem>>)
      } else {
      }
      %jit3A_287 = arith.constant 3 : i32
      %eq3A_288 = arith.constant 0 : i32
      %eq3A_289 = arith.cmpi eq, %jit3A_287, %eq3A_288 : i32
      %jit3A_290 = arith.constant 1 : i32
      %select_n3A_291 = arith.select %eq3A_289, %jit3A_290, %jit3A_287 : i32
      %rem3A_292 = arith.remsi %scan3A_152, %select_n3A_291 : i32
      %ne3A_293 = arith.constant 0 : i32
      %ne3A_294 = arith.cmpi ne, %rem3A_292, %ne3A_293 : i32
      %lt3A_295 = arith.constant 0 : i32
      %lt3A_296 = arith.cmpi slt, %rem3A_292, %lt3A_295 : i32
      %lt3A_297 = arith.constant 0 : i32
      %lt3A_298 = arith.cmpi slt, %select_n3A_291, %lt3A_297 : i32
      %ne3A_299 = arith.xori %lt3A_296, %lt3A_298 : i1
      %and3A_300 = arith.andi %ne3A_299, %ne3A_294 : i1
      %add3A_301 = arith.addi %rem3A_292, %select_n3A_291 : i32
      %select_n3A_302 = arith.select %and3A_300, %add3A_301, %rem3A_292 : i32
      %get3A = arith.constant 1 : i32
      %get3A_303 = arith.index_cast %select_n3A_302 : i32 to index
      %get3A_304 = arith.index_cast %get3A : i32 to index
      %get3A_305 = arith.constant 0 : index
      %get3A_306 = tpu.vector_load %arg7[%get3A_303, %get3A_304, %get3A_305] {strides = array<i32>} : memref<3x2x128xi32, #tpu.memory_space<vmem>>, vector<16xi32>,
      %broadcast_in_dim3A = arith.constant true
      %broadcast_in_dim3A_307 = vector.broadcast %broadcast_in_dim3A : i1 to vector<16xi1>
      %unique3A, %unique3A_308 = tpu.scan_count mask(%broadcast_in_dim3A_307 : vector<16xi1>) value(%get3A_306 : vector<16xi32>) : vector<16xi1>, vector<16xi32>
      %shift_right_logical3A = arith.constant 7 : i32
      %shift_right_logical3A_309 = vector.broadcast %shift_right_logical3A : i32 to vector<16xi32>
      %shift_right_logical3A_310 = arith.shrui %get3A_306, %shift_right_logical3A_309 : vector<16xi32>
      %and3A_311 = arith.constant 127 : i32
      %and3A_312 = vector.broadcast %and3A_311 : i32 to vector<16xi32>
      %and3A_313 = arith.andi %get3A_306, %and3A_312 : vector<16xi32>
      %convert_element_type3A_314 = arith.sitofp %unique3A_308 : vector<16xi32> to vector<16xf32>
      tpu.vector_store_idx %arg10[%shift_right_logical3A_310, %and3A_313], %convert_element_type3A_314 masked %unique3A {add = true} : memref<80x128xf32, #tpu.memory_space<vmem>>[vector<16xi32>, vector<16xi32>], vector<16xf32>, vector<16xi1>
      %get3A_315 = arith.constant 1 : i32
      %get3A_316 = arith.index_cast %select_n3A_302 : i32 to index
      %get3A_317 = arith.index_cast %get3A_315 : i32 to index
      %get3A_318 = arith.constant 16 : index
      %get3A_319 = tpu.vector_load %arg7[%get3A_316, %get3A_317, %get3A_318] {strides = array<i32>} : memref<3x2x128xi32, #tpu.memory_space<vmem>>, vector<16xi32>,
      %broadcast_in_dim3A_320 = arith.constant true
      %broadcast_in_dim3A_321 = vector.broadcast %broadcast_in_dim3A_320 : i1 to vector<16xi1>
      %unique3A_322, %unique3A_323 = tpu.scan_count mask(%broadcast_in_dim3A_321 : vector<16xi1>) value(%get3A_319 : vector<16xi32>) : vector<16xi1>, vector<16xi32>
      %shift_right_logical3A_324 = arith.constant 7 : i32
      %shift_right_logical3A_325 = vector.broadcast %shift_right_logical3A_324 : i32 to vector<16xi32>
      %shift_right_logical3A_326 = arith.shrui %get3A_319, %shift_right_logical3A_325 : vector<16xi32>
      %and3A_327 = arith.constant 127 : i32
      %and3A_328 = vector.broadcast %and3A_327 : i32 to vector<16xi32>
      %and3A_329 = arith.andi %get3A_319, %and3A_328 : vector<16xi32>
      %convert_element_type3A_330 = arith.sitofp %unique3A_323 : vector<16xi32> to vector<16xf32>
      tpu.vector_store_idx %arg10[%shift_right_logical3A_326, %and3A_329], %convert_element_type3A_330 masked %unique3A_322 {add = true} : memref<80x128xf32, #tpu.memory_space<vmem>>[vector<16xi32>, vector<16xi32>], vector<16xf32>, vector<16xi1>
      %get3A_331 = arith.constant 1 : i32
      %get3A_332 = arith.index_cast %select_n3A_302 : i32 to index
      %get3A_333 = arith.index_cast %get3A_331 : i32 to index
      %get3A_334 = arith.constant 32 : index
      %get3A_335 = tpu.vector_load %arg7[%get3A_332, %get3A_333, %get3A_334] {strides = array<i32>} : memref<3x2x128xi32, #tpu.memory_space<vmem>>, vector<16xi32>,
      %broadcast_in_dim3A_336 = arith.constant true
      %broadcast_in_dim3A_337 = vector.broadcast %broadcast_in_dim3A_336 : i1 to vector<16xi1>
      %unique3A_338, %unique3A_339 = tpu.scan_count mask(%broadcast_in_dim3A_337 : vector<16xi1>) value(%get3A_335 : vector<16xi32>) : vector<16xi1>, vector<16xi32>
      %shift_right_logical3A_340 = arith.constant 7 : i32
      %shift_right_logical3A_341 = vector.broadcast %shift_right_logical3A_340 : i32 to vector<16xi32>
      %shift_right_logical3A_342 = arith.shrui %get3A_335, %shift_right_logical3A_341 : vector<16xi32>
      %and3A_343 = arith.constant 127 : i32
      %and3A_344 = vector.broadcast %and3A_343 : i32 to vector<16xi32>
      %and3A_345 = arith.andi %get3A_335, %and3A_344 : vector<16xi32>
      %convert_element_type3A_346 = arith.sitofp %unique3A_339 : vector<16xi32> to vector<16xf32>
      tpu.vector_store_idx %arg10[%shift_right_logical3A_342, %and3A_345], %convert_element_type3A_346 masked %unique3A_338 {add = true} : memref<80x128xf32, #tpu.memory_space<vmem>>[vector<16xi32>, vector<16xi32>], vector<16xf32>, vector<16xi1>
      %get3A_347 = arith.constant 1 : i32
      %get3A_348 = arith.index_cast %select_n3A_302 : i32 to index
      %get3A_349 = arith.index_cast %get3A_347 : i32 to index
      %get3A_350 = arith.constant 48 : index
      %get3A_351 = tpu.vector_load %arg7[%get3A_348, %get3A_349, %get3A_350] {strides = array<i32>} : memref<3x2x128xi32, #tpu.memory_space<vmem>>, vector<16xi32>,
      %broadcast_in_dim3A_352 = arith.constant true
      %broadcast_in_dim3A_353 = vector.broadcast %broadcast_in_dim3A_352 : i1 to vector<16xi1>
      %unique3A_354, %unique3A_355 = tpu.scan_count mask(%broadcast_in_dim3A_353 : vector<16xi1>) value(%get3A_351 : vector<16xi32>) : vector<16xi1>, vector<16xi32>
      %shift_right_logical3A_356 = arith.constant 7 : i32
      %shift_right_logical3A_357 = vector.broadcast %shift_right_logical3A_356 : i32 to vector<16xi32>
      %shift_right_logical3A_358 = arith.shrui %get3A_351, %shift_right_logical3A_357 : vector<16xi32>
      %and3A_359 = arith.constant 127 : i32
      %and3A_360 = vector.broadcast %and3A_359 : i32 to vector<16xi32>
      %and3A_361 = arith.andi %get3A_351, %and3A_360 : vector<16xi32>
      %convert_element_type3A_362 = arith.sitofp %unique3A_355 : vector<16xi32> to vector<16xf32>
      tpu.vector_store_idx %arg10[%shift_right_logical3A_358, %and3A_361], %convert_element_type3A_362 masked %unique3A_354 {add = true} : memref<80x128xf32, #tpu.memory_space<vmem>>[vector<16xi32>, vector<16xi32>], vector<16xf32>, vector<16xi1>
      %get3A_363 = arith.constant 1 : i32
      %get3A_364 = arith.index_cast %select_n3A_302 : i32 to index
      %get3A_365 = arith.index_cast %get3A_363 : i32 to index
      %get3A_366 = arith.constant 64 : index
      %get3A_367 = tpu.vector_load %arg7[%get3A_364, %get3A_365, %get3A_366] {strides = array<i32>} : memref<3x2x128xi32, #tpu.memory_space<vmem>>, vector<16xi32>,
      %broadcast_in_dim3A_368 = arith.constant true
      %broadcast_in_dim3A_369 = vector.broadcast %broadcast_in_dim3A_368 : i1 to vector<16xi1>
      %unique3A_370, %unique3A_371 = tpu.scan_count mask(%broadcast_in_dim3A_369 : vector<16xi1>) value(%get3A_367 : vector<16xi32>) : vector<16xi1>, vector<16xi32>
      %shift_right_logical3A_372 = arith.constant 7 : i32
      %shift_right_logical3A_373 = vector.broadcast %shift_right_logical3A_372 : i32 to vector<16xi32>
      %shift_right_logical3A_374 = arith.shrui %get3A_367, %shift_right_logical3A_373 : vector<16xi32>
      %and3A_375 = arith.constant 127 : i32
      %and3A_376 = vector.broadcast %and3A_375 : i32 to vector<16xi32>
      %and3A_377 = arith.andi %get3A_367, %and3A_376 : vector<16xi32>
      %convert_element_type3A_378 = arith.sitofp %unique3A_371 : vector<16xi32> to vector<16xf32>
      tpu.vector_store_idx %arg10[%shift_right_logical3A_374, %and3A_377], %convert_element_type3A_378 masked %unique3A_370 {add = true} : memref<80x128xf32, #tpu.memory_space<vmem>>[vector<16xi32>, vector<16xi32>], vector<16xf32>, vector<16xi1>
      %get3A_379 = arith.constant 1 : i32
      %get3A_380 = arith.index_cast %select_n3A_302 : i32 to index
      %get3A_381 = arith.index_cast %get3A_379 : i32 to index
      %get3A_382 = arith.constant 80 : index
      %get3A_383 = tpu.vector_load %arg7[%get3A_380, %get3A_381, %get3A_382] {strides = array<i32>} : memref<3x2x128xi32, #tpu.memory_space<vmem>>, vector<16xi32>,
      %broadcast_in_dim3A_384 = arith.constant true
      %broadcast_in_dim3A_385 = vector.broadcast %broadcast_in_dim3A_384 : i1 to vector<16xi1>
      %unique3A_386, %unique3A_387 = tpu.scan_count mask(%broadcast_in_dim3A_385 : vector<16xi1>) value(%get3A_383 : vector<16xi32>) : vector<16xi1>, vector<16xi32>
      %shift_right_logical3A_388 = arith.constant 7 : i32
      %shift_right_logical3A_389 = vector.broadcast %shift_right_logical3A_388 : i32 to vector<16xi32>
      %shift_right_logical3A_390 = arith.shrui %get3A_383, %shift_right_logical3A_389 : vector<16xi32>
      %and3A_391 = arith.constant 127 : i32
      %and3A_392 = vector.broadcast %and3A_391 : i32 to vector<16xi32>
      %and3A_393 = arith.andi %get3A_383, %and3A_392 : vector<16xi32>
      %convert_element_type3A_394 = arith.sitofp %unique3A_387 : vector<16xi32> to vector<16xf32>
      tpu.vector_store_idx %arg10[%shift_right_logical3A_390, %and3A_393], %convert_element_type3A_394 masked %unique3A_386 {add = true} : memref<80x128xf32, #tpu.memory_space<vmem>>[vector<16xi32>, vector<16xi32>], vector<16xf32>, vector<16xi1>
      %get3A_395 = arith.constant 1 : i32
      %get3A_396 = arith.index_cast %select_n3A_302 : i32 to index
      %get3A_397 = arith.index_cast %get3A_395 : i32 to index
      %get3A_398 = arith.constant 96 : index
      %get3A_399 = tpu.vector_load %arg7[%get3A_396, %get3A_397, %get3A_398] {strides = array<i32>} : memref<3x2x128xi32, #tpu.memory_space<vmem>>, vector<16xi32>,
      %broadcast_in_dim3A_400 = arith.constant true
      %broadcast_in_dim3A_401 = vector.broadcast %broadcast_in_dim3A_400 : i1 to vector<16xi1>
      %unique3A_402, %unique3A_403 = tpu.scan_count mask(%broadcast_in_dim3A_401 : vector<16xi1>) value(%get3A_399 : vector<16xi32>) : vector<16xi1>, vector<16xi32>
      %shift_right_logical3A_404 = arith.constant 7 : i32
      %shift_right_logical3A_405 = vector.broadcast %shift_right_logical3A_404 : i32 to vector<16xi32>
      %shift_right_logical3A_406 = arith.shrui %get3A_399, %shift_right_logical3A_405 : vector<16xi32>
      %and3A_407 = arith.constant 127 : i32
      %and3A_408 = vector.broadcast %and3A_407 : i32 to vector<16xi32>
      %and3A_409 = arith.andi %get3A_399, %and3A_408 : vector<16xi32>
      %convert_element_type3A_410 = arith.sitofp %unique3A_403 : vector<16xi32> to vector<16xf32>
      tpu.vector_store_idx %arg10[%shift_right_logical3A_406, %and3A_409], %convert_element_type3A_410 masked %unique3A_402 {add = true} : memref<80x128xf32, #tpu.memory_space<vmem>>[vector<16xi32>, vector<16xi32>], vector<16xf32>, vector<16xi1>
      %get3A_411 = arith.constant 1 : i32
      %get3A_412 = arith.index_cast %select_n3A_302 : i32 to index
      %get3A_413 = arith.index_cast %get3A_411 : i32 to index
      %get3A_414 = arith.constant 112 : index
      %get3A_415 = tpu.vector_load %arg7[%get3A_412, %get3A_413, %get3A_414] {strides = array<i32>} : memref<3x2x128xi32, #tpu.memory_space<vmem>>, vector<16xi32>,
      %broadcast_in_dim3A_416 = arith.constant true
      %broadcast_in_dim3A_417 = vector.broadcast %broadcast_in_dim3A_416 : i1 to vector<16xi1>
      %unique3A_418, %unique3A_419 = tpu.scan_count mask(%broadcast_in_dim3A_417 : vector<16xi1>) value(%get3A_415 : vector<16xi32>) : vector<16xi1>, vector<16xi32>
      %shift_right_logical3A_420 = arith.constant 7 : i32
      %shift_right_logical3A_421 = vector.broadcast %shift_right_logical3A_420 : i32 to vector<16xi32>
      %shift_right_logical3A_422 = arith.shrui %get3A_415, %shift_right_logical3A_421 : vector<16xi32>
      %and3A_423 = arith.constant 127 : i32
      %and3A_424 = vector.broadcast %and3A_423 : i32 to vector<16xi32>
      %and3A_425 = arith.andi %get3A_415, %and3A_424 : vector<16xi32>
      %convert_element_type3A_426 = arith.sitofp %unique3A_419 : vector<16xi32> to vector<16xf32>
      tpu.vector_store_idx %arg10[%shift_right_logical3A_422, %and3A_425], %convert_element_type3A_426 masked %unique3A_418 {add = true} : memref<80x128xf32, #tpu.memory_space<vmem>>[vector<16xi32>, vector<16xi32>], vector<16xf32>, vector<16xi1>
    }
    %scan3A_129 = arith.constant 80 : i32
    %dma_wait3A_130 = arith.constant 1 : i32
    %dma_wait3A_131 = arith.constant 1 : i32
    %dma_wait3A_132 = arith.constant 1 : i32
    %dma_wait3A_133 = arith.constant 1 : i32
    %dma_wait3A_134 = arith.constant 0 : i32
    %dma_wait3A_135 = arith.constant 0 : i32
    %dma_wait3A_136 = tpu.memref_slice %arg8[%dma_wait3A_130, %dma_wait3A_134, %dma_wait3A_135] : memref<2x128x128xf32, #tpu.memory_space<vmem>> -> memref<1x128x128xf32, #tpu.memory_space<vmem>>
    %dma_wait3A_137 = tpu.memref_squeeze %dma_wait3A_136 : memref<1x128x128xf32, #tpu.memory_space<vmem>> -> memref<128x128xf32, #tpu.memory_space<vmem>>
    %dma_wait3A_138 = arith.constant 0 : i32
    %dma_wait3A_139 = tpu.memref_slice %arg7[%dma_wait3A_131, %dma_wait3A_132, %dma_wait3A_138] : memref<3x2x128xi32, #tpu.memory_space<vmem>> -> memref<1x1x128xi32, #tpu.memory_space<vmem>>
    %dma_wait3A_140 = tpu.memref_squeeze %dma_wait3A_139 : memref<1x1x128xi32, #tpu.memory_space<vmem>> -> memref<128xi32, #tpu.memory_space<vmem>>
    %dma_wait3A_141 = arith.constant 0 : i32
    %dma_wait3A_142 = arith.constant 0 : i32
    %dma_wait3A_143 = tpu.memref_slice %arg14[%dma_wait3A_141, %dma_wait3A_142] : memref<10240x128xf32, #tpu.memory_space<vmem_shared>> -> memref<10240x128xf32, #tpu.memory_space<vmem_shared>>
    %dma_wait3A_144 = tpu.memref_slice %arg13[%dma_wait3A_133] : memref<2x!tpu.dma_semaphore, #tpu.memory_space<semaphore_mem>> -> memref<1x!tpu.dma_semaphore, #tpu.memory_space<semaphore_mem>>
    %dma_wait3A_145 = tpu.memref_squeeze %dma_wait3A_144 : memref<1x!tpu.dma_semaphore, #tpu.memory_space<semaphore_mem>> -> memref<!tpu.dma_semaphore, #tpu.memory_space<semaphore_mem>>
    tpu.wait_indirect_dma semaphore(%dma_wait3A_145 : memref<!tpu.dma_semaphore, #tpu.memory_space<semaphore_mem>>) src(%dma_wait3A_137 : memref<128x128xf32, #tpu.memory_space<vmem>>) dst(%dma_wait3A_143 : memref<10240x128xf32, #tpu.memory_space<vmem_shared>>)
    %run_scoped3A = arith.constant 0 : i32
    "tpu.region"() ({
      %run_scoped3A_152 = tpu.sem_alloc : memref<!tpu.dma_semaphore, #tpu.memory_space<semaphore_mem>>
      %dma_start3A_153 = arith.constant 0 : i32
      %dma_start3A_154 = tpu.memref_slice %arg9[%run_scoped3A, %dma_start3A_153] : memref<1x80xi32, #tpu.memory_space<vmem>> -> memref<1x80xi32, #tpu.memory_space<vmem>>
      %dma_start3A_155 = tpu.memref_squeeze %dma_start3A_154 : memref<1x80xi32, #tpu.memory_space<vmem>> -> memref<80xi32, #tpu.memory_space<vmem>>
      %dma_start3A_156 = arith.constant 0 : i32
      %dma_start3A_157 = arith.constant 0 : i32
      %dma_start3A_158 = tpu.memref_slice %arg15[%dma_start3A_156, %dma_start3A_157] : memref<80x128xf32, #tpu.memory_space<vmem_shared>> -> memref<80x128xf32, #tpu.memory_space<vmem_shared>>
      tpu.enqueue_indirect_dma source(%arg10 : memref<80x128xf32, #tpu.memory_space<vmem>>) target(%dma_start3A_158 : memref<80x128xf32, #tpu.memory_space<vmem_shared>>) offsets(%dma_start3A_155 : memref<80xi32, #tpu.memory_space<vmem>>) semaphore(%run_scoped3A_152 : memref<!tpu.dma_semaphore, #tpu.memory_space<semaphore_mem>>) {add = true}
      %dma_wait3A_159 = arith.constant 0 : i32
      %dma_wait3A_160 = tpu.memref_slice %arg9[%run_scoped3A, %dma_wait3A_159] : memref<1x80xi32, #tpu.memory_space<vmem>> -> memref<1x80xi32, #tpu.memory_space<vmem>>
      %dma_wait3A_161 = tpu.memref_squeeze %dma_wait3A_160 : memref<1x80xi32, #tpu.memory_space<vmem>> -> memref<80xi32, #tpu.memory_space<vmem>>
      %dma_wait3A_162 = arith.constant 0 : i32
      %dma_wait3A_163 = arith.constant 0 : i32
      %dma_wait3A_164 = tpu.memref_slice %arg15[%dma_wait3A_162, %dma_wait3A_163] : memref<80x128xf32, #tpu.memory_space<vmem_shared>> -> memref<80x128xf32, #tpu.memory_space<vmem_shared>>
      tpu.wait_indirect_dma semaphore(%run_scoped3A_152 : memref<!tpu.dma_semaphore, #tpu.memory_space<semaphore_mem>>) src(%arg10 : memref<80x128xf32, #tpu.memory_space<vmem>>) dst(%dma_wait3A_164 : memref<80x128xf32, #tpu.memory_space<vmem_shared>>)
      tpu.yield
    }) : () -> ()
    %barrier3A_146 = arith.constant 0 : index
    tpu.barrier barrier_id(%barrier3A_146)
    "tpu.region"() ({
      %run_scoped3A_152 = tpu.sem_alloc : memref<!tpu.dma_semaphore, #tpu.memory_space<semaphore_mem>>
      %dma_start3A_153 = arith.constant 0 : i32
      %dma_start3A_154 = arith.constant 0 : i32
      %dma_start3A_155 = tpu.memref_slice %arg5[%arg0, %dma_start3A_153, %dma_start3A_154] : memref<2x10240x128xf32, #tpu.memory_space<hbm>> -> memref<1x10240x128xf32, #tpu.memory_space<hbm>>
      %dma_start3A_156 = tpu.memref_squeeze %dma_start3A_155 : memref<1x10240x128xf32, #tpu.memory_space<hbm>> -> memref<10240x128xf32, #tpu.memory_space<hbm>>
      %dma_start3A_157 = arith.constant 0 : i32
      %dma_start3A_158 = tpu.memref_slice %dma_start3A_156[%mul3A_0, %dma_start3A_157] : memref<10240x128xf32, #tpu.memory_space<hbm>> -> memref<640x128xf32, #tpu.memory_space<hbm>>
      %dma_start3A_159 = arith.constant 0 : i32
      %dma_start3A_160 = tpu.memref_slice %arg14[%mul3A_0, %dma_start3A_159] : memref<10240x128xf32, #tpu.memory_space<vmem_shared>> -> memref<640x128xf32, #tpu.memory_space<vmem_shared>>
      tpu.enqueue_dma source(%dma_start3A_160 : memref<640x128xf32, #tpu.memory_space<vmem_shared>>) target(%dma_start3A_158 : memref<640x128xf32, #tpu.memory_space<hbm>>) target_semaphore(%run_scoped3A_152 : memref<!tpu.dma_semaphore, #tpu.memory_space<semaphore_mem>>)
      %dma_wait3A_161 = arith.constant 0 : i32
      %dma_wait3A_162 = arith.constant 0 : i32
      %dma_wait3A_163 = tpu.memref_slice %arg5[%arg0, %dma_wait3A_161, %dma_wait3A_162] : memref<2x10240x128xf32, #tpu.memory_space<hbm>> -> memref<1x10240x128xf32, #tpu.memory_space<hbm>>
      %dma_wait3A_164 = tpu.memref_squeeze %dma_wait3A_163 : memref<1x10240x128xf32, #tpu.memory_space<hbm>> -> memref<10240x128xf32, #tpu.memory_space<hbm>>
      %dma_wait3A_165 = arith.constant 0 : i32
      %dma_wait3A_166 = tpu.memref_slice %dma_wait3A_164[%mul3A_0, %dma_wait3A_165] : memref<10240x128xf32, #tpu.memory_space<hbm>> -> memref<640x128xf32, #tpu.memory_space<hbm>>
      %dma_wait3A_167 = arith.constant 0 : i32
      %dma_wait3A_168 = tpu.memref_slice %arg14[%mul3A_0, %dma_wait3A_167] : memref<10240x128xf32, #tpu.memory_space<vmem_shared>> -> memref<640x128xf32, #tpu.memory_space<vmem_shared>>
      tpu.wait_dma2 semaphore(%run_scoped3A_152 : memref<!tpu.dma_semaphore, #tpu.memory_space<semaphore_mem>>) src(%dma_wait3A_168 : memref<640x128xf32, #tpu.memory_space<vmem_shared>>) dst(%dma_wait3A_166 : memref<640x128xf32, #tpu.memory_space<hbm>>)
      tpu.yield
    }) : () -> ()
    %eq3A_147 = arith.constant 0 : i32
    %eq3A_148 = arith.cmpi eq, %arg1, %eq3A_147 : i32
    %convert_element_type3A_149 = arith.extui %eq3A_148 : i1 to i32
    %cond3A_150 = arith.constant 0 : i32
    %cond3A_151 = arith.cmpi ne, %convert_element_type3A_149, %cond3A_150 : i32
    scf.if %cond3A_151 {
      "tpu.region"() ({
        %run_scoped3A_152 = tpu.sem_alloc : memref<!tpu.dma_semaphore, #tpu.memory_space<semaphore_mem>>
        %dma_start3A_153 = arith.constant 0 : i32
        %dma_start3A_154 = arith.constant 0 : i32
        %dma_start3A_155 = tpu.memref_slice %arg6[%arg0, %dma_start3A_153, %dma_start3A_154] : memref<2x80x128xf32, #tpu.memory_space<hbm>> -> memref<1x80x128xf32, #tpu.memory_space<hbm>>
        %dma_start3A_156 = tpu.memref_squeeze %dma_start3A_155 : memref<1x80x128xf32, #tpu.memory_space<hbm>> -> memref<80x128xf32, #tpu.memory_space<hbm>>
        tpu.enqueue_dma source(%arg15 : memref<80x128xf32, #tpu.memory_space<vmem_shared>>) target(%dma_start3A_156 : memref<80x128xf32, #tpu.memory_space<hbm>>) target_semaphore(%run_scoped3A_152 : memref<!tpu.dma_semaphore, #tpu.memory_space<semaphore_mem>>)
        %dma_wait3A_157 = arith.constant 0 : i32
        %dma_wait3A_158 = arith.constant 0 : i32
        %dma_wait3A_159 = tpu.memref_slice %arg6[%arg0, %dma_wait3A_157, %dma_wait3A_158] : memref<2x80x128xf32, #tpu.memory_space<hbm>> -> memref<1x80x128xf32, #tpu.memory_space<hbm>>
        %dma_wait3A_160 = tpu.memref_squeeze %dma_wait3A_159 : memref<1x80x128xf32, #tpu.memory_space<hbm>> -> memref<80x128xf32, #tpu.memory_space<hbm>>
        tpu.wait_dma2 semaphore(%run_scoped3A_152 : memref<!tpu.dma_semaphore, #tpu.memory_space<semaphore_mem>>) src(%arg15 : memref<80x128xf32, #tpu.memory_space<vmem_shared>>) dst(%dma_wait3A_160 : memref<80x128xf32, #tpu.memory_space<hbm>>)
        tpu.yield
      }) : () -> ()
    } else {
    }
    return
  }
}

#map = affine_map<(d0, d1) -> (0, 0, 0)>
#map1 = affine_map<(d0, d1) -> (0, 0)>
module attributes {stable_mosaic.version = 14 : i64} {
  func.func @_agg2_body(%arg0: i32, %arg1: i32, %arg2: memref<2x10240x128xf32, #tpu.memory_space<hbm>>, %arg3: memref<2560x2x128xi32, #tpu.memory_space<hbm>>, %arg4: memref<10240x128xf32, #tpu.memory_space<hbm>>, %arg5: memref<2x10240x128xf32, #tpu.memory_space<hbm>>, %arg6: memref<3x2x128xi32, #tpu.memory_space<vmem>>, %arg7: memref<2x128x128xf32, #tpu.memory_space<vmem>>, %arg8: memref<3x!tpu.dma_semaphore, #tpu.memory_space<semaphore_mem>>, %arg9: memref<2x!tpu.dma_semaphore, #tpu.memory_space<semaphore_mem>>, %arg10: memref<2x!tpu.dma_semaphore, #tpu.memory_space<semaphore_mem>>, %arg11: memref<10240x128xf32, #tpu.memory_space<vmem_shared>>) attributes {dimension_semantics = [#tpu.dimension_semantics<core_parallel>, #tpu.dimension_semantics<subcore_parallel>], iteration_bounds = array<i64: 2, 16>, scalar_prefetch = 0 : i64, scratch_operands = 6 : i64, tpu.core_type = #tpu.core_type<sc_vector_subcore>, window_params = [{transform_indices = #map}, {transform_indices = #map}, {transform_indices = #map1}, {transform_indices = #map}]} {
    %mul3A = arith.constant 640 : i32
    %mul3A_0 = arith.muli %arg1, %mul3A : i32
    %mul3A_1 = arith.constant 160 : i32
    %mul3A_2 = arith.muli %arg1, %mul3A_1 : i32
    "tpu.region"() ({
      %run_scoped3A = tpu.sem_alloc : memref<!tpu.dma_semaphore, #tpu.memory_space<semaphore_mem>>
      %dma_start3A_108 = arith.constant 0 : i32
      %dma_start3A_109 = tpu.memref_slice %arg11[%mul3A_0, %dma_start3A_108] : memref<10240x128xf32, #tpu.memory_space<vmem_shared>> -> memref<640x128xf32, #tpu.memory_space<vmem_shared>>
      %dma_start3A_110 = arith.constant 0 : i32
      %dma_start3A_111 = tpu.memref_slice %arg4[%mul3A_0, %dma_start3A_110] : memref<10240x128xf32, #tpu.memory_space<hbm>> -> memref<640x128xf32, #tpu.memory_space<hbm>>
      tpu.enqueue_dma source(%dma_start3A_111 : memref<640x128xf32, #tpu.memory_space<hbm>>) target(%dma_start3A_109 : memref<640x128xf32, #tpu.memory_space<vmem_shared>>) target_semaphore(%run_scoped3A : memref<!tpu.dma_semaphore, #tpu.memory_space<semaphore_mem>>)
      %dma_wait3A_112 = arith.constant 0 : i32
      %dma_wait3A_113 = tpu.memref_slice %arg11[%mul3A_0, %dma_wait3A_112] : memref<10240x128xf32, #tpu.memory_space<vmem_shared>> -> memref<640x128xf32, #tpu.memory_space<vmem_shared>>
      %dma_wait3A_114 = arith.constant 0 : i32
      %dma_wait3A_115 = tpu.memref_slice %arg4[%mul3A_0, %dma_wait3A_114] : memref<10240x128xf32, #tpu.memory_space<hbm>> -> memref<640x128xf32, #tpu.memory_space<hbm>>
      tpu.wait_dma2 semaphore(%run_scoped3A : memref<!tpu.dma_semaphore, #tpu.memory_space<semaphore_mem>>) src(%dma_wait3A_115 : memref<640x128xf32, #tpu.memory_space<hbm>>) dst(%dma_wait3A_113 : memref<640x128xf32, #tpu.memory_space<vmem_shared>>)
      tpu.yield
    }) : () -> ()
    %barrier3A = arith.constant 0 : index
    tpu.barrier barrier_id(%barrier3A)
    %add3A = arith.constant 0 : i32
    %add3A_3 = arith.addi %mul3A_2, %add3A : i32
    %dma_start3A = arith.constant 0 : i32
    %dma_start3A_4 = arith.constant 0 : i32
    %dma_start3A_5 = arith.constant 0 : i32
    %dma_start3A_6 = arith.constant 0 : i32
    %dma_start3A_7 = tpu.memref_slice %arg6[%dma_start3A, %dma_start3A_5, %dma_start3A_6] : memref<3x2x128xi32, #tpu.memory_space<vmem>> -> memref<1x2x128xi32, #tpu.memory_space<vmem>>
    %dma_start3A_8 = tpu.memref_squeeze %dma_start3A_7 : memref<1x2x128xi32, #tpu.memory_space<vmem>> -> memref<2x128xi32, #tpu.memory_space<vmem>>
    %dma_start3A_9 = arith.constant 0 : i32
    %dma_start3A_10 = arith.constant 0 : i32
    %dma_start3A_11 = tpu.memref_slice %arg3[%add3A_3, %dma_start3A_9, %dma_start3A_10] : memref<2560x2x128xi32, #tpu.memory_space<hbm>> -> memref<1x2x128xi32, #tpu.memory_space<hbm>>
    %dma_start3A_12 = tpu.memref_squeeze %dma_start3A_11 : memref<1x2x128xi32, #tpu.memory_space<hbm>> -> memref<2x128xi32, #tpu.memory_space<hbm>>
    %dma_start3A_13 = tpu.memref_slice %arg8[%dma_start3A_4] : memref<3x!tpu.dma_semaphore, #tpu.memory_space<semaphore_mem>> -> memref<1x!tpu.dma_semaphore, #tpu.memory_space<semaphore_mem>>
    %dma_start3A_14 = tpu.memref_squeeze %dma_start3A_13 : memref<1x!tpu.dma_semaphore, #tpu.memory_space<semaphore_mem>> -> memref<!tpu.dma_semaphore, #tpu.memory_space<semaphore_mem>>
    %dma_start3A_15 = arith.constant 0 : i32
    %dma_start3A_16 = arith.constant 0 : i32
    %dma_start3A_17 = tpu.memref_slice %arg6[%dma_start3A, %dma_start3A_15, %dma_start3A_16] : memref<3x2x128xi32, #tpu.memory_space<vmem>> -> memref<1x2x128xi32, #tpu.memory_space<vmem>>
    %dma_start3A_18 = tpu.memref_squeeze %dma_start3A_17 : memref<1x2x128xi32, #tpu.memory_space<vmem>> -> memref<2x128xi32, #tpu.memory_space<vmem>>
    %dma_start3A_19 = arith.constant 0 : i32
    %dma_start3A_20 = arith.constant 0 : i32
    %dma_start3A_21 = tpu.memref_slice %arg3[%add3A_3, %dma_start3A_19, %dma_start3A_20] : memref<2560x2x128xi32, #tpu.memory_space<hbm>> -> memref<1x2x128xi32, #tpu.memory_space<hbm>>
    %dma_start3A_22 = tpu.memref_squeeze %dma_start3A_21 : memref<1x2x128xi32, #tpu.memory_space<hbm>> -> memref<2x128xi32, #tpu.memory_space<hbm>>
    tpu.enqueue_dma source(%dma_start3A_22 : memref<2x128xi32, #tpu.memory_space<hbm>>) target(%dma_start3A_18 : memref<2x128xi32, #tpu.memory_space<vmem>>) target_semaphore(%dma_start3A_14 : memref<!tpu.dma_semaphore, #tpu.memory_space<semaphore_mem>>)
    %add3A_23 = arith.constant 1 : i32
    %add3A_24 = arith.addi %mul3A_2, %add3A_23 : i32
    %dma_start3A_25 = arith.constant 1 : i32
    %dma_start3A_26 = arith.constant 1 : i32
    %dma_start3A_27 = arith.constant 0 : i32
    %dma_start3A_28 = arith.constant 0 : i32
    %dma_start3A_29 = tpu.memref_slice %arg6[%dma_start3A_25, %dma_start3A_27, %dma_start3A_28] : memref<3x2x128xi32, #tpu.memory_space<vmem>> -> memref<1x2x128xi32, #tpu.memory_space<vmem>>
    %dma_start3A_30 = tpu.memref_squeeze %dma_start3A_29 : memref<1x2x128xi32, #tpu.memory_space<vmem>> -> memref<2x128xi32, #tpu.memory_space<vmem>>
    %dma_start3A_31 = arith.constant 0 : i32
    %dma_start3A_32 = arith.constant 0 : i32
    %dma_start3A_33 = tpu.memref_slice %arg3[%add3A_24, %dma_start3A_31, %dma_start3A_32] : memref<2560x2x128xi32, #tpu.memory_space<hbm>> -> memref<1x2x128xi32, #tpu.memory_space<hbm>>
    %dma_start3A_34 = tpu.memref_squeeze %dma_start3A_33 : memref<1x2x128xi32, #tpu.memory_space<hbm>> -> memref<2x128xi32, #tpu.memory_space<hbm>>
    %dma_start3A_35 = tpu.memref_slice %arg8[%dma_start3A_26] : memref<3x!tpu.dma_semaphore, #tpu.memory_space<semaphore_mem>> -> memref<1x!tpu.dma_semaphore, #tpu.memory_space<semaphore_mem>>
    %dma_start3A_36 = tpu.memref_squeeze %dma_start3A_35 : memref<1x!tpu.dma_semaphore, #tpu.memory_space<semaphore_mem>> -> memref<!tpu.dma_semaphore, #tpu.memory_space<semaphore_mem>>
    %dma_start3A_37 = arith.constant 0 : i32
    %dma_start3A_38 = arith.constant 0 : i32
    %dma_start3A_39 = tpu.memref_slice %arg6[%dma_start3A_25, %dma_start3A_37, %dma_start3A_38] : memref<3x2x128xi32, #tpu.memory_space<vmem>> -> memref<1x2x128xi32, #tpu.memory_space<vmem>>
    %dma_start3A_40 = tpu.memref_squeeze %dma_start3A_39 : memref<1x2x128xi32, #tpu.memory_space<vmem>> -> memref<2x128xi32, #tpu.memory_space<vmem>>
    %dma_start3A_41 = arith.constant 0 : i32
    %dma_start3A_42 = arith.constant 0 : i32
    %dma_start3A_43 = tpu.memref_slice %arg3[%add3A_24, %dma_start3A_41, %dma_start3A_42] : memref<2560x2x128xi32, #tpu.memory_space<hbm>> -> memref<1x2x128xi32, #tpu.memory_space<hbm>>
    %dma_start3A_44 = tpu.memref_squeeze %dma_start3A_43 : memref<1x2x128xi32, #tpu.memory_space<hbm>> -> memref<2x128xi32, #tpu.memory_space<hbm>>
    tpu.enqueue_dma source(%dma_start3A_44 : memref<2x128xi32, #tpu.memory_space<hbm>>) target(%dma_start3A_40 : memref<2x128xi32, #tpu.memory_space<vmem>>) target_semaphore(%dma_start3A_36 : memref<!tpu.dma_semaphore, #tpu.memory_space<semaphore_mem>>)
    %add3A_45 = arith.constant 0 : i32
    %add3A_46 = arith.addi %mul3A_2, %add3A_45 : i32
    %dma_wait3A = arith.constant 0 : i32
    %dma_wait3A_47 = arith.constant 0 : i32
    %dma_wait3A_48 = arith.constant 0 : i32
    %dma_wait3A_49 = arith.constant 0 : i32
    %dma_wait3A_50 = tpu.memref_slice %arg6[%dma_wait3A, %dma_wait3A_48, %dma_wait3A_49] : memref<3x2x128xi32, #tpu.memory_space<vmem>> -> memref<1x2x128xi32, #tpu.memory_space<vmem>>
    %dma_wait3A_51 = tpu.memref_squeeze %dma_wait3A_50 : memref<1x2x128xi32, #tpu.memory_space<vmem>> -> memref<2x128xi32, #tpu.memory_space<vmem>>
    %dma_wait3A_52 = arith.constant 0 : i32
    %dma_wait3A_53 = arith.constant 0 : i32
    %dma_wait3A_54 = tpu.memref_slice %arg3[%add3A_46, %dma_wait3A_52, %dma_wait3A_53] : memref<2560x2x128xi32, #tpu.memory_space<hbm>> -> memref<1x2x128xi32, #tpu.memory_space<hbm>>
    %dma_wait3A_55 = tpu.memref_squeeze %dma_wait3A_54 : memref<1x2x128xi32, #tpu.memory_space<hbm>> -> memref<2x128xi32, #tpu.memory_space<hbm>>
    %dma_wait3A_56 = tpu.memref_slice %arg8[%dma_wait3A_47] : memref<3x!tpu.dma_semaphore, #tpu.memory_space<semaphore_mem>> -> memref<1x!tpu.dma_semaphore, #tpu.memory_space<semaphore_mem>>
    %dma_wait3A_57 = tpu.memref_squeeze %dma_wait3A_56 : memref<1x!tpu.dma_semaphore, #tpu.memory_space<semaphore_mem>> -> memref<!tpu.dma_semaphore, #tpu.memory_space<semaphore_mem>>
    %dma_wait3A_58 = arith.constant 0 : i32
    %dma_wait3A_59 = arith.constant 0 : i32
    %dma_wait3A_60 = tpu.memref_slice %arg6[%dma_wait3A, %dma_wait3A_58, %dma_wait3A_59] : memref<3x2x128xi32, #tpu.memory_space<vmem>> -> memref<1x2x128xi32, #tpu.memory_space<vmem>>
    %dma_wait3A_61 = tpu.memref_squeeze %dma_wait3A_60 : memref<1x2x128xi32, #tpu.memory_space<vmem>> -> memref<2x128xi32, #tpu.memory_space<vmem>>
    %dma_wait3A_62 = arith.constant 0 : i32
    %dma_wait3A_63 = arith.constant 0 : i32
    %dma_wait3A_64 = tpu.memref_slice %arg3[%add3A_46, %dma_wait3A_62, %dma_wait3A_63] : memref<2560x2x128xi32, #tpu.memory_space<hbm>> -> memref<1x2x128xi32, #tpu.memory_space<hbm>>
    %dma_wait3A_65 = tpu.memref_squeeze %dma_wait3A_64 : memref<1x2x128xi32, #tpu.memory_space<hbm>> -> memref<2x128xi32, #tpu.memory_space<hbm>>
    tpu.wait_dma2 semaphore(%dma_wait3A_57 : memref<!tpu.dma_semaphore, #tpu.memory_space<semaphore_mem>>) src(%dma_wait3A_65 : memref<2x128xi32, #tpu.memory_space<hbm>>) dst(%dma_wait3A_61 : memref<2x128xi32, #tpu.memory_space<vmem>>)
    %dma_start3A_66 = arith.constant 0 : i32
    %dma_start3A_67 = arith.constant 0 : i32
    %dma_start3A_68 = arith.constant 0 : i32
    %dma_start3A_69 = arith.constant 0 : i32
    %dma_start3A_70 = arith.constant 0 : i32
    %dma_start3A_71 = arith.constant 0 : i32
    %dma_start3A_72 = tpu.memref_slice %arg7[%dma_start3A_68, %dma_start3A_70, %dma_start3A_71] : memref<2x128x128xf32, #tpu.memory_space<vmem>> -> memref<1x128x128xf32, #tpu.memory_space<vmem>>
    %dma_start3A_73 = tpu.memref_squeeze %dma_start3A_72 : memref<1x128x128xf32, #tpu.memory_space<vmem>> -> memref<128x128xf32, #tpu.memory_space<vmem>>
    %dma_start3A_74 = arith.constant 0 : i32
    %dma_start3A_75 = tpu.memref_slice %arg6[%dma_start3A_66, %dma_start3A_67, %dma_start3A_74] : memref<3x2x128xi32, #tpu.memory_space<vmem>> -> memref<1x1x128xi32, #tpu.memory_space<vmem>>
    %dma_start3A_76 = tpu.memref_squeeze %dma_start3A_75 : memref<1x1x128xi32, #tpu.memory_space<vmem>> -> memref<128xi32, #tpu.memory_space<vmem>>
    %dma_start3A_77 = arith.constant 0 : i32
    %dma_start3A_78 = arith.constant 0 : i32
    %dma_start3A_79 = tpu.memref_slice %arg2[%arg0, %dma_start3A_77, %dma_start3A_78] : memref<2x10240x128xf32, #tpu.memory_space<hbm>> -> memref<1x10240x128xf32, #tpu.memory_space<hbm>>
    %dma_start3A_80 = tpu.memref_squeeze %dma_start3A_79 : memref<1x10240x128xf32, #tpu.memory_space<hbm>> -> memref<10240x128xf32, #tpu.memory_space<hbm>>
    %dma_start3A_81 = arith.constant 0 : i32
    %dma_start3A_82 = arith.constant 0 : i32
    %dma_start3A_83 = tpu.memref_slice %dma_start3A_80[%dma_start3A_81, %dma_start3A_82] : memref<10240x128xf32, #tpu.memory_space<hbm>> -> memref<10240x128xf32, #tpu.memory_space<hbm>>
    %dma_start3A_84 = tpu.memref_slice %arg9[%dma_start3A_69] : memref<2x!tpu.dma_semaphore, #tpu.memory_space<semaphore_mem>> -> memref<1x!tpu.dma_semaphore, #tpu.memory_space<semaphore_mem>>
    %dma_start3A_85 = tpu.memref_squeeze %dma_start3A_84 : memref<1x!tpu.dma_semaphore, #tpu.memory_space<semaphore_mem>> -> memref<!tpu.dma_semaphore, #tpu.memory_space<semaphore_mem>>
    tpu.enqueue_indirect_dma source(%dma_start3A_83 : memref<10240x128xf32, #tpu.memory_space<hbm>>) target(%dma_start3A_73 : memref<128x128xf32, #tpu.memory_space<vmem>>) offsets(%dma_start3A_76 : memref<128xi32, #tpu.memory_space<vmem>>) semaphore(%dma_start3A_85 : memref<!tpu.dma_semaphore, #tpu.memory_space<semaphore_mem>>)
    %scan3A = arith.constant 0 : i32
    %scan3A_86 = arith.constant 0 : i32
    %scan3A_87 = arith.constant 160 : i32
    %scan3A_88 = arith.addi %scan3A_86, %scan3A_87 : i32
    %scan3A_89 = arith.constant 1 : i32
    scf.for %scan3A_108 = %scan3A_86 to %scan3A_88 step %scan3A_89  : i32 {
      %jit3A = arith.constant 3 : i32
      %eq3A = arith.constant 0 : i32
      %eq3A_109 = arith.cmpi eq, %jit3A, %eq3A : i32
      %jit3A_110 = arith.constant 1 : i32
      %select_n3A = arith.select %eq3A_109, %jit3A_110, %jit3A : i32
      %rem3A = arith.remsi %scan3A_108, %select_n3A : i32
      %ne3A = arith.constant 0 : i32
      %ne3A_111 = arith.cmpi ne, %rem3A, %ne3A : i32
      %lt3A = arith.constant 0 : i32
      %lt3A_112 = arith.cmpi slt, %rem3A, %lt3A : i32
      %lt3A_113 = arith.constant 0 : i32
      %lt3A_114 = arith.cmpi slt, %select_n3A, %lt3A_113 : i32
      %ne3A_115 = arith.xori %lt3A_112, %lt3A_114 : i1
      %and3A = arith.andi %ne3A_115, %ne3A_111 : i1
      %add3A_116 = arith.addi %rem3A, %select_n3A : i32
      %select_n3A_117 = arith.select %and3A, %add3A_116, %rem3A : i32
      %jit3A_118 = arith.constant 2 : i32
      %eq3A_119 = arith.constant 0 : i32
      %eq3A_120 = arith.cmpi eq, %jit3A_118, %eq3A_119 : i32
      %jit3A_121 = arith.constant 1 : i32
      %select_n3A_122 = arith.select %eq3A_120, %jit3A_121, %jit3A_118 : i32
      %rem3A_123 = arith.remsi %scan3A_108, %select_n3A_122 : i32
      %ne3A_124 = arith.constant 0 : i32
      %ne3A_125 = arith.cmpi ne, %rem3A_123, %ne3A_124 : i32
      %lt3A_126 = arith.constant 0 : i32
      %lt3A_127 = arith.cmpi slt, %rem3A_123, %lt3A_126 : i32
      %lt3A_128 = arith.constant 0 : i32
      %lt3A_129 = arith.cmpi slt, %select_n3A_122, %lt3A_128 : i32
      %ne3A_130 = arith.xori %lt3A_127, %lt3A_129 : i1
      %and3A_131 = arith.andi %ne3A_130, %ne3A_125 : i1
      %add3A_132 = arith.addi %rem3A_123, %select_n3A_122 : i32
      %select_n3A_133 = arith.select %and3A_131, %add3A_132, %rem3A_123 : i32
      %jit3A_134 = arith.constant 2 : i32
      %eq3A_135 = arith.constant 0 : i32
      %eq3A_136 = arith.cmpi eq, %jit3A_134, %eq3A_135 : i32
      %jit3A_137 = arith.constant 1 : i32
      %select_n3A_138 = arith.select %eq3A_136, %jit3A_137, %jit3A_134 : i32
      %rem3A_139 = arith.remsi %scan3A_108, %select_n3A_138 : i32
      %ne3A_140 = arith.constant 0 : i32
      %ne3A_141 = arith.cmpi ne, %rem3A_139, %ne3A_140 : i32
      %lt3A_142 = arith.constant 0 : i32
      %lt3A_143 = arith.cmpi slt, %rem3A_139, %lt3A_142 : i32
      %lt3A_144 = arith.constant 0 : i32
      %lt3A_145 = arith.cmpi slt, %select_n3A_138, %lt3A_144 : i32
      %ne3A_146 = arith.xori %lt3A_143, %lt3A_145 : i1
      %and3A_147 = arith.andi %ne3A_146, %ne3A_141 : i1
      %add3A_148 = arith.addi %rem3A_139, %select_n3A_138 : i32
      %select_n3A_149 = arith.select %and3A_147, %add3A_148, %rem3A_139 : i32
      %dma_wait3A_150 = arith.constant 0 : i32
      %dma_wait3A_151 = arith.constant 0 : i32
      %dma_wait3A_152 = arith.constant 0 : i32
      %dma_wait3A_153 = tpu.memref_slice %arg7[%select_n3A_133, %dma_wait3A_151, %dma_wait3A_152] : memref<2x128x128xf32, #tpu.memory_space<vmem>> -> memref<1x128x128xf32, #tpu.memory_space<vmem>>
      %dma_wait3A_154 = tpu.memref_squeeze %dma_wait3A_153 : memref<1x128x128xf32, #tpu.memory_space<vmem>> -> memref<128x128xf32, #tpu.memory_space<vmem>>
      %dma_wait3A_155 = arith.constant 0 : i32
      %dma_wait3A_156 = tpu.memref_slice %arg6[%select_n3A_117, %dma_wait3A_150, %dma_wait3A_155] : memref<3x2x128xi32, #tpu.memory_space<vmem>> -> memref<1x1x128xi32, #tpu.memory_space<vmem>>
      %dma_wait3A_157 = tpu.memref_squeeze %dma_wait3A_156 : memref<1x1x128xi32, #tpu.memory_space<vmem>> -> memref<128xi32, #tpu.memory_space<vmem>>
      %dma_wait3A_158 = arith.constant 0 : i32
      %dma_wait3A_159 = arith.constant 0 : i32
      %dma_wait3A_160 = tpu.memref_slice %arg2[%arg0, %dma_wait3A_158, %dma_wait3A_159] : memref<2x10240x128xf32, #tpu.memory_space<hbm>> -> memref<1x10240x128xf32, #tpu.memory_space<hbm>>
      %dma_wait3A_161 = tpu.memref_squeeze %dma_wait3A_160 : memref<1x10240x128xf32, #tpu.memory_space<hbm>> -> memref<10240x128xf32, #tpu.memory_space<hbm>>
      %dma_wait3A_162 = arith.constant 0 : i32
      %dma_wait3A_163 = arith.constant 0 : i32
      %dma_wait3A_164 = tpu.memref_slice %dma_wait3A_161[%dma_wait3A_162, %dma_wait3A_163] : memref<10240x128xf32, #tpu.memory_space<hbm>> -> memref<10240x128xf32, #tpu.memory_space<hbm>>
      %dma_wait3A_165 = tpu.memref_slice %arg9[%select_n3A_149] : memref<2x!tpu.dma_semaphore, #tpu.memory_space<semaphore_mem>> -> memref<1x!tpu.dma_semaphore, #tpu.memory_space<semaphore_mem>>
      %dma_wait3A_166 = tpu.memref_squeeze %dma_wait3A_165 : memref<1x!tpu.dma_semaphore, #tpu.memory_space<semaphore_mem>> -> memref<!tpu.dma_semaphore, #tpu.memory_space<semaphore_mem>>
      tpu.wait_indirect_dma semaphore(%dma_wait3A_166 : memref<!tpu.dma_semaphore, #tpu.memory_space<semaphore_mem>>) src(%dma_wait3A_164 : memref<10240x128xf32, #tpu.memory_space<hbm>>) dst(%dma_wait3A_154 : memref<128x128xf32, #tpu.memory_space<vmem>>)
      %ge3A = arith.constant 1 : i32
      %ge3A_167 = arith.cmpi sge, %scan3A_108, %ge3A : i32
      %convert_element_type3A = arith.extui %ge3A_167 : i1 to i32
      %cond3A = arith.constant 0 : i32
      %cond3A_168 = arith.cmpi ne, %convert_element_type3A, %cond3A : i32
      scf.if %cond3A_168 {
        %sub3A = arith.constant 1 : i32
        %sub3A_244 = arith.subi %scan3A_108, %sub3A : i32
        %jit3A_245 = arith.constant 2 : i32
        %eq3A_246 = arith.constant 0 : i32
        %eq3A_247 = arith.cmpi eq, %jit3A_245, %eq3A_246 : i32
        %jit3A_248 = arith.constant 1 : i32
        %select_n3A_249 = arith.select %eq3A_247, %jit3A_248, %jit3A_245 : i32
        %rem3A_250 = arith.remsi %sub3A_244, %select_n3A_249 : i32
        %ne3A_251 = arith.constant 0 : i32
        %ne3A_252 = arith.cmpi ne, %rem3A_250, %ne3A_251 : i32
        %lt3A_253 = arith.constant 0 : i32
        %lt3A_254 = arith.cmpi slt, %rem3A_250, %lt3A_253 : i32
        %lt3A_255 = arith.constant 0 : i32
        %lt3A_256 = arith.cmpi slt, %select_n3A_249, %lt3A_255 : i32
        %ne3A_257 = arith.xori %lt3A_254, %lt3A_256 : i1
        %and3A_258 = arith.andi %ne3A_257, %ne3A_252 : i1
        %add3A_259 = arith.addi %rem3A_250, %select_n3A_249 : i32
        %select_n3A_260 = arith.select %and3A_258, %add3A_259, %rem3A_250 : i32
        %jit3A_261 = arith.constant 3 : i32
        %eq3A_262 = arith.constant 0 : i32
        %eq3A_263 = arith.cmpi eq, %jit3A_261, %eq3A_262 : i32
        %jit3A_264 = arith.constant 1 : i32
        %select_n3A_265 = arith.select %eq3A_263, %jit3A_264, %jit3A_261 : i32
        %rem3A_266 = arith.remsi %sub3A_244, %select_n3A_265 : i32
        %ne3A_267 = arith.constant 0 : i32
        %ne3A_268 = arith.cmpi ne, %rem3A_266, %ne3A_267 : i32
        %lt3A_269 = arith.constant 0 : i32
        %lt3A_270 = arith.cmpi slt, %rem3A_266, %lt3A_269 : i32
        %lt3A_271 = arith.constant 0 : i32
        %lt3A_272 = arith.cmpi slt, %select_n3A_265, %lt3A_271 : i32
        %ne3A_273 = arith.xori %lt3A_270, %lt3A_272 : i1
        %and3A_274 = arith.andi %ne3A_273, %ne3A_268 : i1
        %add3A_275 = arith.addi %rem3A_266, %select_n3A_265 : i32
        %select_n3A_276 = arith.select %and3A_274, %add3A_275, %rem3A_266 : i32
        %jit3A_277 = arith.constant 2 : i32
        %eq3A_278 = arith.constant 0 : i32
        %eq3A_279 = arith.cmpi eq, %jit3A_277, %eq3A_278 : i32
        %jit3A_280 = arith.constant 1 : i32
        %select_n3A_281 = arith.select %eq3A_279, %jit3A_280, %jit3A_277 : i32
        %rem3A_282 = arith.remsi %sub3A_244, %select_n3A_281 : i32
        %ne3A_283 = arith.constant 0 : i32
        %ne3A_284 = arith.cmpi ne, %rem3A_282, %ne3A_283 : i32
        %lt3A_285 = arith.constant 0 : i32
        %lt3A_286 = arith.cmpi slt, %rem3A_282, %lt3A_285 : i32
        %lt3A_287 = arith.constant 0 : i32
        %lt3A_288 = arith.cmpi slt, %select_n3A_281, %lt3A_287 : i32
        %ne3A_289 = arith.xori %lt3A_286, %lt3A_288 : i1
        %and3A_290 = arith.andi %ne3A_289, %ne3A_284 : i1
        %add3A_291 = arith.addi %rem3A_282, %select_n3A_281 : i32
        %select_n3A_292 = arith.select %and3A_290, %add3A_291, %rem3A_282 : i32
        %dma_wait3A_293 = arith.constant 1 : i32
        %dma_wait3A_294 = arith.constant 0 : i32
        %dma_wait3A_295 = arith.constant 0 : i32
        %dma_wait3A_296 = tpu.memref_slice %arg7[%select_n3A_260, %dma_wait3A_294, %dma_wait3A_295] : memref<2x128x128xf32, #tpu.memory_space<vmem>> -> memref<1x128x128xf32, #tpu.memory_space<vmem>>
        %dma_wait3A_297 = tpu.memref_squeeze %dma_wait3A_296 : memref<1x128x128xf32, #tpu.memory_space<vmem>> -> memref<128x128xf32, #tpu.memory_space<vmem>>
        %dma_wait3A_298 = arith.constant 0 : i32
        %dma_wait3A_299 = tpu.memref_slice %arg6[%select_n3A_276, %dma_wait3A_293, %dma_wait3A_298] : memref<3x2x128xi32, #tpu.memory_space<vmem>> -> memref<1x1x128xi32, #tpu.memory_space<vmem>>
        %dma_wait3A_300 = tpu.memref_squeeze %dma_wait3A_299 : memref<1x1x128xi32, #tpu.memory_space<vmem>> -> memref<128xi32, #tpu.memory_space<vmem>>
        %dma_wait3A_301 = arith.constant 0 : i32
        %dma_wait3A_302 = arith.constant 0 : i32
        %dma_wait3A_303 = tpu.memref_slice %arg11[%dma_wait3A_301, %dma_wait3A_302] : memref<10240x128xf32, #tpu.memory_space<vmem_shared>> -> memref<10240x128xf32, #tpu.memory_space<vmem_shared>>
        %dma_wait3A_304 = tpu.memref_slice %arg10[%select_n3A_292] : memref<2x!tpu.dma_semaphore, #tpu.memory_space<semaphore_mem>> -> memref<1x!tpu.dma_semaphore, #tpu.memory_space<semaphore_mem>>
        %dma_wait3A_305 = tpu.memref_squeeze %dma_wait3A_304 : memref<1x!tpu.dma_semaphore, #tpu.memory_space<semaphore_mem>> -> memref<!tpu.dma_semaphore, #tpu.memory_space<semaphore_mem>>
        tpu.wait_indirect_dma semaphore(%dma_wait3A_305 : memref<!tpu.dma_semaphore, #tpu.memory_space<semaphore_mem>>) src(%dma_wait3A_297 : memref<128x128xf32, #tpu.memory_space<vmem>>) dst(%dma_wait3A_303 : memref<10240x128xf32, #tpu.memory_space<vmem_shared>>)
      } else {
      }
      %add3A_169 = arith.constant 1 : i32
      %add3A_170 = arith.addi %scan3A_108, %add3A_169 : i32
      %lt3A_171 = arith.constant 160 : i32
      %lt3A_172 = arith.cmpi slt, %add3A_170, %lt3A_171 : i32
      %convert_element_type3A_173 = arith.extui %lt3A_172 : i1 to i32
      %cond3A_174 = arith.constant 0 : i32
      %cond3A_175 = arith.cmpi ne, %convert_element_type3A_173, %cond3A_174 : i32
      scf.if %cond3A_175 {
        %add3A_244 = arith.constant 1 : i32
        %add3A_245 = arith.addi %scan3A_108, %add3A_244 : i32
        %add3A_246 = arith.addi %mul3A_2, %add3A_245 : i32
        %jit3A_247 = arith.constant 3 : i32
        %eq3A_248 = arith.constant 0 : i32
        %eq3A_249 = arith.cmpi eq, %jit3A_247, %eq3A_248 : i32
        %jit3A_250 = arith.constant 1 : i32
        %select_n3A_251 = arith.select %eq3A_249, %jit3A_250, %jit3A_247 : i32
        %rem3A_252 = arith.remsi %add3A_245, %select_n3A_251 : i32
        %ne3A_253 = arith.constant 0 : i32
        %ne3A_254 = arith.cmpi ne, %rem3A_252, %ne3A_253 : i32
        %lt3A_255 = arith.constant 0 : i32
        %lt3A_256 = arith.cmpi slt, %rem3A_252, %lt3A_255 : i32
        %lt3A_257 = arith.constant 0 : i32
        %lt3A_258 = arith.cmpi slt, %select_n3A_251, %lt3A_257 : i32
        %ne3A_259 = arith.xori %lt3A_256, %lt3A_258 : i1
        %and3A_260 = arith.andi %ne3A_259, %ne3A_254 : i1
        %add3A_261 = arith.addi %rem3A_252, %select_n3A_251 : i32
        %select_n3A_262 = arith.select %and3A_260, %add3A_261, %rem3A_252 : i32
        %jit3A_263 = arith.constant 3 : i32
        %eq3A_264 = arith.constant 0 : i32
        %eq3A_265 = arith.cmpi eq, %jit3A_263, %eq3A_264 : i32
        %jit3A_266 = arith.constant 1 : i32
        %select_n3A_267 = arith.select %eq3A_265, %jit3A_266, %jit3A_263 : i32
        %rem3A_268 = arith.remsi %add3A_245, %select_n3A_267 : i32
        %ne3A_269 = arith.constant 0 : i32
        %ne3A_270 = arith.cmpi ne, %rem3A_268, %ne3A_269 : i32
        %lt3A_271 = arith.constant 0 : i32
        %lt3A_272 = arith.cmpi slt, %rem3A_268, %lt3A_271 : i32
        %lt3A_273 = arith.constant 0 : i32
        %lt3A_274 = arith.cmpi slt, %select_n3A_267, %lt3A_273 : i32
        %ne3A_275 = arith.xori %lt3A_272, %lt3A_274 : i1
        %and3A_276 = arith.andi %ne3A_275, %ne3A_270 : i1
        %add3A_277 = arith.addi %rem3A_268, %select_n3A_267 : i32
        %select_n3A_278 = arith.select %and3A_276, %add3A_277, %rem3A_268 : i32
        %dma_wait3A_279 = arith.constant 0 : i32
        %dma_wait3A_280 = arith.constant 0 : i32
        %dma_wait3A_281 = tpu.memref_slice %arg6[%select_n3A_262, %dma_wait3A_279, %dma_wait3A_280] : memref<3x2x128xi32, #tpu.memory_space<vmem>> -> memref<1x2x128xi32, #tpu.memory_space<vmem>>
        %dma_wait3A_282 = tpu.memref_squeeze %dma_wait3A_281 : memref<1x2x128xi32, #tpu.memory_space<vmem>> -> memref<2x128xi32, #tpu.memory_space<vmem>>
        %dma_wait3A_283 = arith.constant 0 : i32
        %dma_wait3A_284 = arith.constant 0 : i32
        %dma_wait3A_285 = tpu.memref_slice %arg3[%add3A_246, %dma_wait3A_283, %dma_wait3A_284] : memref<2560x2x128xi32, #tpu.memory_space<hbm>> -> memref<1x2x128xi32, #tpu.memory_space<hbm>>
        %dma_wait3A_286 = tpu.memref_squeeze %dma_wait3A_285 : memref<1x2x128xi32, #tpu.memory_space<hbm>> -> memref<2x128xi32, #tpu.memory_space<hbm>>
        %dma_wait3A_287 = tpu.memref_slice %arg8[%select_n3A_278] : memref<3x!tpu.dma_semaphore, #tpu.memory_space<semaphore_mem>> -> memref<1x!tpu.dma_semaphore, #tpu.memory_space<semaphore_mem>>
        %dma_wait3A_288 = tpu.memref_squeeze %dma_wait3A_287 : memref<1x!tpu.dma_semaphore, #tpu.memory_space<semaphore_mem>> -> memref<!tpu.dma_semaphore, #tpu.memory_space<semaphore_mem>>
        %dma_wait3A_289 = arith.constant 0 : i32
        %dma_wait3A_290 = arith.constant 0 : i32
        %dma_wait3A_291 = tpu.memref_slice %arg6[%select_n3A_262, %dma_wait3A_289, %dma_wait3A_290] : memref<3x2x128xi32, #tpu.memory_space<vmem>> -> memref<1x2x128xi32, #tpu.memory_space<vmem>>
        %dma_wait3A_292 = tpu.memref_squeeze %dma_wait3A_291 : memref<1x2x128xi32, #tpu.memory_space<vmem>> -> memref<2x128xi32, #tpu.memory_space<vmem>>
        %dma_wait3A_293 = arith.constant 0 : i32
        %dma_wait3A_294 = arith.constant 0 : i32
        %dma_wait3A_295 = tpu.memref_slice %arg3[%add3A_246, %dma_wait3A_293, %dma_wait3A_294] : memref<2560x2x128xi32, #tpu.memory_space<hbm>> -> memref<1x2x128xi32, #tpu.memory_space<hbm>>
        %dma_wait3A_296 = tpu.memref_squeeze %dma_wait3A_295 : memref<1x2x128xi32, #tpu.memory_space<hbm>> -> memref<2x128xi32, #tpu.memory_space<hbm>>
        tpu.wait_dma2 semaphore(%dma_wait3A_288 : memref<!tpu.dma_semaphore, #tpu.memory_space<semaphore_mem>>) src(%dma_wait3A_296 : memref<2x128xi32, #tpu.memory_space<hbm>>) dst(%dma_wait3A_292 : memref<2x128xi32, #tpu.memory_space<vmem>>)
        %add3A_297 = arith.constant 1 : i32
        %add3A_298 = arith.addi %scan3A_108, %add3A_297 : i32
        %jit3A_299 = arith.constant 3 : i32
        %eq3A_300 = arith.constant 0 : i32
        %eq3A_301 = arith.cmpi eq, %jit3A_299, %eq3A_300 : i32
        %jit3A_302 = arith.constant 1 : i32
        %select_n3A_303 = arith.select %eq3A_301, %jit3A_302, %jit3A_299 : i32
        %rem3A_304 = arith.remsi %add3A_298, %select_n3A_303 : i32
        %ne3A_305 = arith.constant 0 : i32
        %ne3A_306 = arith.cmpi ne, %rem3A_304, %ne3A_305 : i32
        %lt3A_307 = arith.constant 0 : i32
        %lt3A_308 = arith.cmpi slt, %rem3A_304, %lt3A_307 : i32
        %lt3A_309 = arith.constant 0 : i32
        %lt3A_310 = arith.cmpi slt, %select_n3A_303, %lt3A_309 : i32
        %ne3A_311 = arith.xori %lt3A_308, %lt3A_310 : i1
        %and3A_312 = arith.andi %ne3A_311, %ne3A_306 : i1
        %add3A_313 = arith.addi %rem3A_304, %select_n3A_303 : i32
        %select_n3A_314 = arith.select %and3A_312, %add3A_313, %rem3A_304 : i32
        %jit3A_315 = arith.constant 2 : i32
        %eq3A_316 = arith.constant 0 : i32
        %eq3A_317 = arith.cmpi eq, %jit3A_315, %eq3A_316 : i32
        %jit3A_318 = arith.constant 1 : i32
        %select_n3A_319 = arith.select %eq3A_317, %jit3A_318, %jit3A_315 : i32
        %rem3A_320 = arith.remsi %add3A_298, %select_n3A_319 : i32
        %ne3A_321 = arith.constant 0 : i32
        %ne3A_322 = arith.cmpi ne, %rem3A_320, %ne3A_321 : i32
        %lt3A_323 = arith.constant 0 : i32
        %lt3A_324 = arith.cmpi slt, %rem3A_320, %lt3A_323 : i32
        %lt3A_325 = arith.constant 0 : i32
        %lt3A_326 = arith.cmpi slt, %select_n3A_319, %lt3A_325 : i32
        %ne3A_327 = arith.xori %lt3A_324, %lt3A_326 : i1
        %and3A_328 = arith.andi %ne3A_327, %ne3A_322 : i1
        %add3A_329 = arith.addi %rem3A_320, %select_n3A_319 : i32
        %select_n3A_330 = arith.select %and3A_328, %add3A_329, %rem3A_320 : i32
        %jit3A_331 = arith.constant 2 : i32
        %eq3A_332 = arith.constant 0 : i32
        %eq3A_333 = arith.cmpi eq, %jit3A_331, %eq3A_332 : i32
        %jit3A_334 = arith.constant 1 : i32
        %select_n3A_335 = arith.select %eq3A_333, %jit3A_334, %jit3A_331 : i32
        %rem3A_336 = arith.remsi %add3A_298, %select_n3A_335 : i32
        %ne3A_337 = arith.constant 0 : i32
        %ne3A_338 = arith.cmpi ne, %rem3A_336, %ne3A_337 : i32
        %lt3A_339 = arith.constant 0 : i32
        %lt3A_340 = arith.cmpi slt, %rem3A_336, %lt3A_339 : i32
        %lt3A_341 = arith.constant 0 : i32
        %lt3A_342 = arith.cmpi slt, %select_n3A_335, %lt3A_341 : i32
        %ne3A_343 = arith.xori %lt3A_340, %lt3A_342 : i1
        %and3A_344 = arith.andi %ne3A_343, %ne3A_338 : i1
        %add3A_345 = arith.addi %rem3A_336, %select_n3A_335 : i32
        %select_n3A_346 = arith.select %and3A_344, %add3A_345, %rem3A_336 : i32
        %dma_start3A_347 = arith.constant 0 : i32
        %dma_start3A_348 = arith.constant 0 : i32
        %dma_start3A_349 = arith.constant 0 : i32
        %dma_start3A_350 = tpu.memref_slice %arg7[%select_n3A_330, %dma_start3A_348, %dma_start3A_349] : memref<2x128x128xf32, #tpu.memory_space<vmem>> -> memref<1x128x128xf32, #tpu.memory_space<vmem>>
        %dma_start3A_351 = tpu.memref_squeeze %dma_start3A_350 : memref<1x128x128xf32, #tpu.memory_space<vmem>> -> memref<128x128xf32, #tpu.memory_space<vmem>>
        %dma_start3A_352 = arith.constant 0 : i32
        %dma_start3A_353 = tpu.memref_slice %arg6[%select_n3A_314, %dma_start3A_347, %dma_start3A_352] : memref<3x2x128xi32, #tpu.memory_space<vmem>> -> memref<1x1x128xi32, #tpu.memory_space<vmem>>
        %dma_start3A_354 = tpu.memref_squeeze %dma_start3A_353 : memref<1x1x128xi32, #tpu.memory_space<vmem>> -> memref<128xi32, #tpu.memory_space<vmem>>
        %dma_start3A_355 = arith.constant 0 : i32
        %dma_start3A_356 = arith.constant 0 : i32
        %dma_start3A_357 = tpu.memref_slice %arg2[%arg0, %dma_start3A_355, %dma_start3A_356] : memref<2x10240x128xf32, #tpu.memory_space<hbm>> -> memref<1x10240x128xf32, #tpu.memory_space<hbm>>
        %dma_start3A_358 = tpu.memref_squeeze %dma_start3A_357 : memref<1x10240x128xf32, #tpu.memory_space<hbm>> -> memref<10240x128xf32, #tpu.memory_space<hbm>>
        %dma_start3A_359 = arith.constant 0 : i32
        %dma_start3A_360 = arith.constant 0 : i32
        %dma_start3A_361 = tpu.memref_slice %dma_start3A_358[%dma_start3A_359, %dma_start3A_360] : memref<10240x128xf32, #tpu.memory_space<hbm>> -> memref<10240x128xf32, #tpu.memory_space<hbm>>
        %dma_start3A_362 = tpu.memref_slice %arg9[%select_n3A_346] : memref<2x!tpu.dma_semaphore, #tpu.memory_space<semaphore_mem>> -> memref<1x!tpu.dma_semaphore, #tpu.memory_space<semaphore_mem>>
        %dma_start3A_363 = tpu.memref_squeeze %dma_start3A_362 : memref<1x!tpu.dma_semaphore, #tpu.memory_space<semaphore_mem>> -> memref<!tpu.dma_semaphore, #tpu.memory_space<semaphore_mem>>
        tpu.enqueue_indirect_dma source(%dma_start3A_361 : memref<10240x128xf32, #tpu.memory_space<hbm>>) target(%dma_start3A_351 : memref<128x128xf32, #tpu.memory_space<vmem>>) offsets(%dma_start3A_354 : memref<128xi32, #tpu.memory_space<vmem>>) semaphore(%dma_start3A_363 : memref<!tpu.dma_semaphore, #tpu.memory_space<semaphore_mem>>)
      } else {
      }
      %jit3A_176 = arith.constant 2 : i32
      %eq3A_177 = arith.constant 0 : i32
      %eq3A_178 = arith.cmpi eq, %jit3A_176, %eq3A_177 : i32
      %jit3A_179 = arith.constant 1 : i32
      %select_n3A_180 = arith.select %eq3A_178, %jit3A_179, %jit3A_176 : i32
      %rem3A_181 = arith.remsi %scan3A_108, %select_n3A_180 : i32
      %ne3A_182 = arith.constant 0 : i32
      %ne3A_183 = arith.cmpi ne, %rem3A_181, %ne3A_182 : i32
      %lt3A_184 = arith.constant 0 : i32
      %lt3A_185 = arith.cmpi slt, %rem3A_181, %lt3A_184 : i32
      %lt3A_186 = arith.constant 0 : i32
      %lt3A_187 = arith.cmpi slt, %select_n3A_180, %lt3A_186 : i32
      %ne3A_188 = arith.xori %lt3A_185, %lt3A_187 : i1
      %and3A_189 = arith.andi %ne3A_188, %ne3A_183 : i1
      %add3A_190 = arith.addi %rem3A_181, %select_n3A_180 : i32
      %select_n3A_191 = arith.select %and3A_189, %add3A_190, %rem3A_181 : i32
      %jit3A_192 = arith.constant 3 : i32
      %eq3A_193 = arith.constant 0 : i32
      %eq3A_194 = arith.cmpi eq, %jit3A_192, %eq3A_193 : i32
      %jit3A_195 = arith.constant 1 : i32
      %select_n3A_196 = arith.select %eq3A_194, %jit3A_195, %jit3A_192 : i32
      %rem3A_197 = arith.remsi %scan3A_108, %select_n3A_196 : i32
      %ne3A_198 = arith.constant 0 : i32
      %ne3A_199 = arith.cmpi ne, %rem3A_197, %ne3A_198 : i32
      %lt3A_200 = arith.constant 0 : i32
      %lt3A_201 = arith.cmpi slt, %rem3A_197, %lt3A_200 : i32
      %lt3A_202 = arith.constant 0 : i32
      %lt3A_203 = arith.cmpi slt, %select_n3A_196, %lt3A_202 : i32
      %ne3A_204 = arith.xori %lt3A_201, %lt3A_203 : i1
      %and3A_205 = arith.andi %ne3A_204, %ne3A_199 : i1
      %add3A_206 = arith.addi %rem3A_197, %select_n3A_196 : i32
      %select_n3A_207 = arith.select %and3A_205, %add3A_206, %rem3A_197 : i32
      %jit3A_208 = arith.constant 2 : i32
      %eq3A_209 = arith.constant 0 : i32
      %eq3A_210 = arith.cmpi eq, %jit3A_208, %eq3A_209 : i32
      %jit3A_211 = arith.constant 1 : i32
      %select_n3A_212 = arith.select %eq3A_210, %jit3A_211, %jit3A_208 : i32
      %rem3A_213 = arith.remsi %scan3A_108, %select_n3A_212 : i32
      %ne3A_214 = arith.constant 0 : i32
      %ne3A_215 = arith.cmpi ne, %rem3A_213, %ne3A_214 : i32
      %lt3A_216 = arith.constant 0 : i32
      %lt3A_217 = arith.cmpi slt, %rem3A_213, %lt3A_216 : i32
      %lt3A_218 = arith.constant 0 : i32
      %lt3A_219 = arith.cmpi slt, %select_n3A_212, %lt3A_218 : i32
      %ne3A_220 = arith.xori %lt3A_217, %lt3A_219 : i1
      %and3A_221 = arith.andi %ne3A_220, %ne3A_215 : i1
      %add3A_222 = arith.addi %rem3A_213, %select_n3A_212 : i32
      %select_n3A_223 = arith.select %and3A_221, %add3A_222, %rem3A_213 : i32
      %dma_start3A_224 = arith.constant 1 : i32
      %dma_start3A_225 = arith.constant 0 : i32
      %dma_start3A_226 = arith.constant 0 : i32
      %dma_start3A_227 = tpu.memref_slice %arg7[%select_n3A_191, %dma_start3A_225, %dma_start3A_226] : memref<2x128x128xf32, #tpu.memory_space<vmem>> -> memref<1x128x128xf32, #tpu.memory_space<vmem>>
      %dma_start3A_228 = tpu.memref_squeeze %dma_start3A_227 : memref<1x128x128xf32, #tpu.memory_space<vmem>> -> memref<128x128xf32, #tpu.memory_space<vmem>>
      %dma_start3A_229 = arith.constant 0 : i32
      %dma_start3A_230 = tpu.memref_slice %arg6[%select_n3A_207, %dma_start3A_224, %dma_start3A_229] : memref<3x2x128xi32, #tpu.memory_space<vmem>> -> memref<1x1x128xi32, #tpu.memory_space<vmem>>
      %dma_start3A_231 = tpu.memref_squeeze %dma_start3A_230 : memref<1x1x128xi32, #tpu.memory_space<vmem>> -> memref<128xi32, #tpu.memory_space<vmem>>
      %dma_start3A_232 = arith.constant 0 : i32
      %dma_start3A_233 = arith.constant 0 : i32
      %dma_start3A_234 = tpu.memref_slice %arg11[%dma_start3A_232, %dma_start3A_233] : memref<10240x128xf32, #tpu.memory_space<vmem_shared>> -> memref<10240x128xf32, #tpu.memory_space<vmem_shared>>
      %dma_start3A_235 = tpu.memref_slice %arg10[%select_n3A_223] : memref<2x!tpu.dma_semaphore, #tpu.memory_space<semaphore_mem>> -> memref<1x!tpu.dma_semaphore, #tpu.memory_space<semaphore_mem>>
      %dma_start3A_236 = tpu.memref_squeeze %dma_start3A_235 : memref<1x!tpu.dma_semaphore, #tpu.memory_space<semaphore_mem>> -> memref<!tpu.dma_semaphore, #tpu.memory_space<semaphore_mem>>
      tpu.enqueue_indirect_dma source(%dma_start3A_228 : memref<128x128xf32, #tpu.memory_space<vmem>>) target(%dma_start3A_234 : memref<10240x128xf32, #tpu.memory_space<vmem_shared>>) offsets(%dma_start3A_231 : memref<128xi32, #tpu.memory_space<vmem>>) semaphore(%dma_start3A_236 : memref<!tpu.dma_semaphore, #tpu.memory_space<semaphore_mem>>) {add = true}
      %add3A_237 = arith.constant 2 : i32
      %add3A_238 = arith.addi %scan3A_108, %add3A_237 : i32
      %lt3A_239 = arith.constant 160 : i32
      %lt3A_240 = arith.cmpi slt, %add3A_238, %lt3A_239 : i32
      %convert_element_type3A_241 = arith.extui %lt3A_240 : i1 to i32
      %cond3A_242 = arith.constant 0 : i32
      %cond3A_243 = arith.cmpi ne, %convert_element_type3A_241, %cond3A_242 : i32
      scf.if %cond3A_243 {
        %add3A_244 = arith.constant 2 : i32
        %add3A_245 = arith.addi %scan3A_108, %add3A_244 : i32
        %add3A_246 = arith.addi %mul3A_2, %add3A_245 : i32
        %jit3A_247 = arith.constant 3 : i32
        %eq3A_248 = arith.constant 0 : i32
        %eq3A_249 = arith.cmpi eq, %jit3A_247, %eq3A_248 : i32
        %jit3A_250 = arith.constant 1 : i32
        %select_n3A_251 = arith.select %eq3A_249, %jit3A_250, %jit3A_247 : i32
        %rem3A_252 = arith.remsi %add3A_245, %select_n3A_251 : i32
        %ne3A_253 = arith.constant 0 : i32
        %ne3A_254 = arith.cmpi ne, %rem3A_252, %ne3A_253 : i32
        %lt3A_255 = arith.constant 0 : i32
        %lt3A_256 = arith.cmpi slt, %rem3A_252, %lt3A_255 : i32
        %lt3A_257 = arith.constant 0 : i32
        %lt3A_258 = arith.cmpi slt, %select_n3A_251, %lt3A_257 : i32
        %ne3A_259 = arith.xori %lt3A_256, %lt3A_258 : i1
        %and3A_260 = arith.andi %ne3A_259, %ne3A_254 : i1
        %add3A_261 = arith.addi %rem3A_252, %select_n3A_251 : i32
        %select_n3A_262 = arith.select %and3A_260, %add3A_261, %rem3A_252 : i32
        %jit3A_263 = arith.constant 3 : i32
        %eq3A_264 = arith.constant 0 : i32
        %eq3A_265 = arith.cmpi eq, %jit3A_263, %eq3A_264 : i32
        %jit3A_266 = arith.constant 1 : i32
        %select_n3A_267 = arith.select %eq3A_265, %jit3A_266, %jit3A_263 : i32
        %rem3A_268 = arith.remsi %add3A_245, %select_n3A_267 : i32
        %ne3A_269 = arith.constant 0 : i32
        %ne3A_270 = arith.cmpi ne, %rem3A_268, %ne3A_269 : i32
        %lt3A_271 = arith.constant 0 : i32
        %lt3A_272 = arith.cmpi slt, %rem3A_268, %lt3A_271 : i32
        %lt3A_273 = arith.constant 0 : i32
        %lt3A_274 = arith.cmpi slt, %select_n3A_267, %lt3A_273 : i32
        %ne3A_275 = arith.xori %lt3A_272, %lt3A_274 : i1
        %and3A_276 = arith.andi %ne3A_275, %ne3A_270 : i1
        %add3A_277 = arith.addi %rem3A_268, %select_n3A_267 : i32
        %select_n3A_278 = arith.select %and3A_276, %add3A_277, %rem3A_268 : i32
        %dma_start3A_279 = arith.constant 0 : i32
        %dma_start3A_280 = arith.constant 0 : i32
        %dma_start3A_281 = tpu.memref_slice %arg6[%select_n3A_262, %dma_start3A_279, %dma_start3A_280] : memref<3x2x128xi32, #tpu.memory_space<vmem>> -> memref<1x2x128xi32, #tpu.memory_space<vmem>>
        %dma_start3A_282 = tpu.memref_squeeze %dma_start3A_281 : memref<1x2x128xi32, #tpu.memory_space<vmem>> -> memref<2x128xi32, #tpu.memory_space<vmem>>
        %dma_start3A_283 = arith.constant 0 : i32
        %dma_start3A_284 = arith.constant 0 : i32
        %dma_start3A_285 = tpu.memref_slice %arg3[%add3A_246, %dma_start3A_283, %dma_start3A_284] : memref<2560x2x128xi32, #tpu.memory_space<hbm>> -> memref<1x2x128xi32, #tpu.memory_space<hbm>>
        %dma_start3A_286 = tpu.memref_squeeze %dma_start3A_285 : memref<1x2x128xi32, #tpu.memory_space<hbm>> -> memref<2x128xi32, #tpu.memory_space<hbm>>
        %dma_start3A_287 = tpu.memref_slice %arg8[%select_n3A_278] : memref<3x!tpu.dma_semaphore, #tpu.memory_space<semaphore_mem>> -> memref<1x!tpu.dma_semaphore, #tpu.memory_space<semaphore_mem>>
        %dma_start3A_288 = tpu.memref_squeeze %dma_start3A_287 : memref<1x!tpu.dma_semaphore, #tpu.memory_space<semaphore_mem>> -> memref<!tpu.dma_semaphore, #tpu.memory_space<semaphore_mem>>
        %dma_start3A_289 = arith.constant 0 : i32
        %dma_start3A_290 = arith.constant 0 : i32
        %dma_start3A_291 = tpu.memref_slice %arg6[%select_n3A_262, %dma_start3A_289, %dma_start3A_290] : memref<3x2x128xi32, #tpu.memory_space<vmem>> -> memref<1x2x128xi32, #tpu.memory_space<vmem>>
        %dma_start3A_292 = tpu.memref_squeeze %dma_start3A_291 : memref<1x2x128xi32, #tpu.memory_space<vmem>> -> memref<2x128xi32, #tpu.memory_space<vmem>>
        %dma_start3A_293 = arith.constant 0 : i32
        %dma_start3A_294 = arith.constant 0 : i32
        %dma_start3A_295 = tpu.memref_slice %arg3[%add3A_246, %dma_start3A_293, %dma_start3A_294] : memref<2560x2x128xi32, #tpu.memory_space<hbm>> -> memref<1x2x128xi32, #tpu.memory_space<hbm>>
        %dma_start3A_296 = tpu.memref_squeeze %dma_start3A_295 : memref<1x2x128xi32, #tpu.memory_space<hbm>> -> memref<2x128xi32, #tpu.memory_space<hbm>>
        tpu.enqueue_dma source(%dma_start3A_296 : memref<2x128xi32, #tpu.memory_space<hbm>>) target(%dma_start3A_292 : memref<2x128xi32, #tpu.memory_space<vmem>>) target_semaphore(%dma_start3A_288 : memref<!tpu.dma_semaphore, #tpu.memory_space<semaphore_mem>>)
      } else {
      }
    }
    %scan3A_90 = arith.constant 160 : i32
    %dma_wait3A_91 = arith.constant 1 : i32
    %dma_wait3A_92 = arith.constant 0 : i32
    %dma_wait3A_93 = arith.constant 1 : i32
    %dma_wait3A_94 = arith.constant 1 : i32
    %dma_wait3A_95 = arith.constant 0 : i32
    %dma_wait3A_96 = arith.constant 0 : i32
    %dma_wait3A_97 = tpu.memref_slice %arg7[%dma_wait3A_91, %dma_wait3A_95, %dma_wait3A_96] : memref<2x128x128xf32, #tpu.memory_space<vmem>> -> memref<1x128x128xf32, #tpu.memory_space<vmem>>
    %dma_wait3A_98 = tpu.memref_squeeze %dma_wait3A_97 : memref<1x128x128xf32, #tpu.memory_space<vmem>> -> memref<128x128xf32, #tpu.memory_space<vmem>>
    %dma_wait3A_99 = arith.constant 0 : i32
    %dma_wait3A_100 = tpu.memref_slice %arg6[%dma_wait3A_92, %dma_wait3A_93, %dma_wait3A_99] : memref<3x2x128xi32, #tpu.memory_space<vmem>> -> memref<1x1x128xi32, #tpu.memory_space<vmem>>
    %dma_wait3A_101 = tpu.memref_squeeze %dma_wait3A_100 : memref<1x1x128xi32, #tpu.memory_space<vmem>> -> memref<128xi32, #tpu.memory_space<vmem>>
    %dma_wait3A_102 = arith.constant 0 : i32
    %dma_wait3A_103 = arith.constant 0 : i32
    %dma_wait3A_104 = tpu.memref_slice %arg11[%dma_wait3A_102, %dma_wait3A_103] : memref<10240x128xf32, #tpu.memory_space<vmem_shared>> -> memref<10240x128xf32, #tpu.memory_space<vmem_shared>>
    %dma_wait3A_105 = tpu.memref_slice %arg10[%dma_wait3A_94] : memref<2x!tpu.dma_semaphore, #tpu.memory_space<semaphore_mem>> -> memref<1x!tpu.dma_semaphore, #tpu.memory_space<semaphore_mem>>
    %dma_wait3A_106 = tpu.memref_squeeze %dma_wait3A_105 : memref<1x!tpu.dma_semaphore, #tpu.memory_space<semaphore_mem>> -> memref<!tpu.dma_semaphore, #tpu.memory_space<semaphore_mem>>
    tpu.wait_indirect_dma semaphore(%dma_wait3A_106 : memref<!tpu.dma_semaphore, #tpu.memory_space<semaphore_mem>>) src(%dma_wait3A_98 : memref<128x128xf32, #tpu.memory_space<vmem>>) dst(%dma_wait3A_104 : memref<10240x128xf32, #tpu.memory_space<vmem_shared>>)
    %barrier3A_107 = arith.constant 0 : index
    tpu.barrier barrier_id(%barrier3A_107)
    "tpu.region"() ({
      %run_scoped3A = tpu.sem_alloc : memref<!tpu.dma_semaphore, #tpu.memory_space<semaphore_mem>>
      %dma_start3A_108 = arith.constant 0 : i32
      %dma_start3A_109 = arith.constant 0 : i32
      %dma_start3A_110 = tpu.memref_slice %arg5[%arg0, %dma_start3A_108, %dma_start3A_109] : memref<2x10240x128xf32, #tpu.memory_space<hbm>> -> memref<1x10240x128xf32, #tpu.memory_space<hbm>>
      %dma_start3A_111 = tpu.memref_squeeze %dma_start3A_110 : memref<1x10240x128xf32, #tpu.memory_space<hbm>> -> memref<10240x128xf32, #tpu.memory_space<hbm>>
      %dma_start3A_112 = arith.constant 0 : i32
      %dma_start3A_113 = tpu.memref_slice %dma_start3A_111[%mul3A_0, %dma_start3A_112] : memref<10240x128xf32, #tpu.memory_space<hbm>> -> memref<640x128xf32, #tpu.memory_space<hbm>>
      %dma_start3A_114 = arith.constant 0 : i32
      %dma_start3A_115 = tpu.memref_slice %arg11[%mul3A_0, %dma_start3A_114] : memref<10240x128xf32, #tpu.memory_space<vmem_shared>> -> memref<640x128xf32, #tpu.memory_space<vmem_shared>>
      tpu.enqueue_dma source(%dma_start3A_115 : memref<640x128xf32, #tpu.memory_space<vmem_shared>>) target(%dma_start3A_113 : memref<640x128xf32, #tpu.memory_space<hbm>>) target_semaphore(%run_scoped3A : memref<!tpu.dma_semaphore, #tpu.memory_space<semaphore_mem>>)
      %dma_wait3A_116 = arith.constant 0 : i32
      %dma_wait3A_117 = arith.constant 0 : i32
      %dma_wait3A_118 = tpu.memref_slice %arg5[%arg0, %dma_wait3A_116, %dma_wait3A_117] : memref<2x10240x128xf32, #tpu.memory_space<hbm>> -> memref<1x10240x128xf32, #tpu.memory_space<hbm>>
      %dma_wait3A_119 = tpu.memref_squeeze %dma_wait3A_118 : memref<1x10240x128xf32, #tpu.memory_space<hbm>> -> memref<10240x128xf32, #tpu.memory_space<hbm>>
      %dma_wait3A_120 = arith.constant 0 : i32
      %dma_wait3A_121 = tpu.memref_slice %dma_wait3A_119[%mul3A_0, %dma_wait3A_120] : memref<10240x128xf32, #tpu.memory_space<hbm>> -> memref<640x128xf32, #tpu.memory_space<hbm>>
      %dma_wait3A_122 = arith.constant 0 : i32
      %dma_wait3A_123 = tpu.memref_slice %arg11[%mul3A_0, %dma_wait3A_122] : memref<10240x128xf32, #tpu.memory_space<vmem_shared>> -> memref<640x128xf32, #tpu.memory_space<vmem_shared>>
      tpu.wait_dma2 semaphore(%run_scoped3A : memref<!tpu.dma_semaphore, #tpu.memory_space<semaphore_mem>>) src(%dma_wait3A_123 : memref<640x128xf32, #tpu.memory_space<vmem_shared>>) dst(%dma_wait3A_121 : memref<640x128xf32, #tpu.memory_space<hbm>>)
      tpu.yield
    }) : () -> ()
    return
  }
}

module attributes {stable_mosaic.version = 14 : i64} {
  func.func @_tc1_body(%arg0: i32, %arg1: memref<2x1024x128xf32, #tpu.memory_space<vmem>>, %arg2: memref<2x8x128xf32, #tpu.memory_space<vmem>>, %arg3: memref<1024x128xf32, #tpu.memory_space<vmem>>, %arg4: memref<128x256xf32, #tpu.memory_space<vmem>>, %arg5: memref<128x256xf32, #tpu.memory_space<vmem>>, %arg6: memref<1x256xf32, #tpu.memory_space<vmem>>, %arg7: memref<256x256xf32, #tpu.memory_space<vmem>>, %arg8: memref<2x1024x128xf32, #tpu.memory_space<vmem>>, %arg9: memref<1024x256xf32, #tpu.memory_space<vmem>>, %arg10: memref<1024x1xf32, #tpu.memory_space<vmem>>) attributes {dimension_semantics = [#tpu.dimension_semantics<arbitrary>], iteration_bounds = array<i64: 10>, scalar_prefetch = 0 : i64, scratch_operands = 0 : i64, tpu.core_type = #tpu.core_type<tc>, window_params = [{transform_indices = @transform_0, window_bounds = array<i64: 2, 1024, 128>}, {transform_indices = @transform_1, window_bounds = array<i64: 2, 8, 128>}, {transform_indices = @transform_2, window_bounds = array<i64: 1024, 128>}, {pipeline_mode = #tpu.pipeline_mode<synchronous>, transform_indices = @transform_3, window_bounds = array<i64: 128, 256>}, {pipeline_mode = #tpu.pipeline_mode<synchronous>, transform_indices = @transform_4, window_bounds = array<i64: 128, 256>}, {pipeline_mode = #tpu.pipeline_mode<synchronous>, transform_indices = @transform_5, window_bounds = array<i64: 1, 256>}, {pipeline_mode = #tpu.pipeline_mode<synchronous>, transform_indices = @transform_6, window_bounds = array<i64: 256, 256>}, {transform_indices = @transform_7, window_bounds = array<i64: 2, 1024, 128>}, {transform_indices = @transform_8, window_bounds = array<i64: 1024, 256>}, {transform_indices = @transform_9, window_bounds = array<i64: 1024, 1>}]} {
    %get3A = arith.constant 0 : index
    %get3A_0 = arith.constant 0 : index
    %get3A_1 = arith.constant 0 : index
    %get3A_2 = vector.load %arg1[%get3A, %get3A_0, %get3A_1] : memref<2x1024x128xf32, #tpu.memory_space<vmem>>, vector<1x1024x128xf32>
    %get3A_3 = vector.shape_cast %get3A_2 : vector<1x1024x128xf32> to vector<1024x128xf32>
    %get3A_4 = arith.constant 1 : index
    %get3A_5 = arith.constant 0 : index
    %get3A_6 = arith.constant 0 : index
    %get3A_7 = vector.load %arg1[%get3A_4, %get3A_5, %get3A_6] : memref<2x1024x128xf32, #tpu.memory_space<vmem>>, vector<1x1024x128xf32>
    %get3A_8 = vector.shape_cast %get3A_7 : vector<1x1024x128xf32> to vector<1024x128xf32>
    %add3A = arith.addf %get3A_3, %get3A_8 : vector<1024x128xf32>
    %get3A_9 = arith.constant 0 : index
    %get3A_10 = arith.constant 0 : index
    %get3A_11 = arith.constant 0 : index
    %get3A_12 = vector.load %arg2[%get3A_9, %get3A_10, %get3A_11] : memref<2x8x128xf32, #tpu.memory_space<vmem>>, vector<1x8x128xf32>
    %get3A_13 = vector.shape_cast %get3A_12 : vector<1x8x128xf32> to vector<8x128xf32>
    %get3A_14 = arith.constant 1 : index
    %get3A_15 = arith.constant 0 : index
    %get3A_16 = arith.constant 0 : index
    %get3A_17 = vector.load %arg2[%get3A_14, %get3A_15, %get3A_16] : memref<2x8x128xf32, #tpu.memory_space<vmem>>, vector<1x8x128xf32>
    %get3A_18 = vector.shape_cast %get3A_17 : vector<1x8x128xf32> to vector<8x128xf32>
    %add3A_19 = arith.addf %get3A_13, %get3A_18 : vector<8x128xf32>
    %iota3A = tpu.iota {dimensions = array<i32: 0>} : vector<1024x8xi32>
    %shift_right_arithmetic3A = arith.constant 7 : i32
    %shift_right_arithmetic3A_20 = vector.broadcast %shift_right_arithmetic3A : i32 to vector<1024x8xi32>
    %shift_right_arithmetic3A_21 = arith.shrsi %iota3A, %shift_right_arithmetic3A_20 : vector<1024x8xi32>
    %iota3A_22 = tpu.iota {dimensions = array<i32: 1>} : vector<1024x8xi32>
    %eq3A = arith.cmpi eq, %shift_right_arithmetic3A_21, %iota3A_22 : vector<1024x8xi32>
    %jit3A = arith.constant 1.000000e+00 : f32
    %jit3A_23 = arith.constant 0.000000e+00 : f32
    %broadcast_in_dim3A = vector.broadcast %jit3A : f32 to vector<1024x8xf32>
    %broadcast_in_dim3A_24 = vector.broadcast %jit3A_23 : f32 to vector<1024x8xf32>
    %select_n3A = arith.select %eq3A, %broadcast_in_dim3A, %broadcast_in_dim3A_24 : vector<1024x8xi1>, vector<1024x8xf32>
    %dot_general3A = arith.constant dense<0.000000e+00> : vector<1024x128xf32>
    %dot_general3A_25 = tpu.matmul %select_n3A, %add3A_19, %dot_general3A {dimension_numbers = #tpu.dot_dimension_numbers<[1], [0], [0], [1], [0, 0, 1, 1], [], []>, transpose_lhs_hint = false} : vector<1024x8xf32>, vector<8x128xf32>, vector<1024x128xf32> -> vector<1024x128xf32>
    %iota3A_26 = tpu.iota {dimensions = array<i32: 0>} : vector<1024x128xi32>
    %and3A = arith.constant 127 : i32
    %and3A_27 = vector.broadcast %and3A : i32 to vector<1024x128xi32>
    %and3A_28 = arith.andi %iota3A_26, %and3A_27 : vector<1024x128xi32>
    %iota3A_29 = tpu.iota {dimensions = array<i32: 1>} : vector<1024x128xi32>
    %eq3A_30 = arith.cmpi eq, %and3A_28, %iota3A_29 : vector<1024x128xi32>
    %jit3A_31 = arith.constant 0.000000e+00 : f32
    %broadcast_in_dim3A_32 = vector.broadcast %jit3A_31 : f32 to vector<1024x128xf32>
    %select_n3A_33 = arith.select %eq3A_30, %dot_general3A_25, %broadcast_in_dim3A_32 : vector<1024x128xi1>, vector<1024x128xf32>
    %reduce_sum3A = arith.constant dense<0.000000e+00> : vector<1024xf32>
    %reduce_sum3A_34 = vector.multi_reduction <add>, %select_n3A_33, %reduce_sum3A [1] : vector<1024x128xf32> to vector<1024xf32>
    %broadcast_in_dim3A_35 = vector.shape_cast %reduce_sum3A_34 : vector<1024xf32> to vector<1024x1xf32>
    %max3A = arith.constant 1.000000e+00 : f32
    %max3A_36 = vector.broadcast %max3A : f32 to vector<1024x1xf32>
    %max3A_37 = arith.maximumf %broadcast_in_dim3A_35, %max3A_36 : vector<1024x1xf32>
    %div3A = arith.constant 1.000000e+00 : f32
    %div3A_38 = vector.broadcast %div3A : f32 to vector<1024x1xf32>
    %div3A_39 = arith.divf %div3A_38, %max3A_37 : vector<1024x1xf32>
    %mul3A = vector.broadcast %div3A_39 : vector<1024x1xf32> to vector<1024x128xf32>
    %mul3A_40 = arith.mulf %add3A, %mul3A : vector<1024x128xf32>
    %get3A_41 = arith.constant 0 : index
    %get3A_42 = arith.constant 0 : index
    %get3A_43 = vector.load %arg4[%get3A_41, %get3A_42] : memref<128x256xf32, #tpu.memory_space<vmem>>, vector<128x256xf32>
    %dot_general3A_44 = arith.constant dense<0.000000e+00> : vector<1024x256xf32>
    %dot_general3A_45 = tpu.matmul %mul3A_40, %get3A_43, %dot_general3A_44 {dimension_numbers = #tpu.dot_dimension_numbers<[1], [0], [0], [1], [0, 0, 1, 1], [], []>, transpose_lhs_hint = false} : vector<1024x128xf32>, vector<128x256xf32>, vector<1024x256xf32> -> vector<1024x256xf32>
    %get3A_46 = arith.constant 0 : index
    %get3A_47 = arith.constant 0 : index
    %get3A_48 = vector.load %arg3[%get3A_46, %get3A_47] : memref<1024x128xf32, #tpu.memory_space<vmem>>, vector<1024x128xf32>
    %get3A_49 = arith.constant 0 : index
    %get3A_50 = arith.constant 0 : index
    %get3A_51 = vector.load %arg5[%get3A_49, %get3A_50] : memref<128x256xf32, #tpu.memory_space<vmem>>, vector<128x256xf32>
    %dot_general3A_52 = arith.constant dense<0.000000e+00> : vector<1024x256xf32>
    %dot_general3A_53 = tpu.matmul %get3A_48, %get3A_51, %dot_general3A_52 {dimension_numbers = #tpu.dot_dimension_numbers<[1], [0], [0], [1], [0, 0, 1, 1], [], []>, transpose_lhs_hint = false} : vector<1024x128xf32>, vector<128x256xf32>, vector<1024x256xf32> -> vector<1024x256xf32>
    %add3A_54 = arith.addf %dot_general3A_45, %dot_general3A_53 : vector<1024x256xf32>
    %get3A_55 = arith.constant 0 : index
    %get3A_56 = arith.constant 0 : index
    %get3A_57 = vector.load %arg6[%get3A_55, %get3A_56] : memref<1x256xf32, #tpu.memory_space<vmem>>, vector<1x256xf32>
    %add3A_58 = vector.broadcast %get3A_57 : vector<1x256xf32> to vector<1024x256xf32>
    %add3A_59 = arith.addf %add3A_54, %add3A_58 : vector<1024x256xf32>
    %max3A_60 = arith.constant 0.000000e+00 : f32
    %max3A_61 = vector.broadcast %max3A_60 : f32 to vector<1024x256xf32>
    %max3A_62 = arith.maximumf %add3A_59, %max3A_61 : vector<1024x256xf32>
    %slice3A = vector.extract_strided_slice %max3A_62 {offsets = [0, 0], sizes = [1024, 128], strides = [1, 1]} : vector<1024x256xf32> to vector<1024x128xf32>
    %swap3A = arith.constant 0 : index
    %swap3A_63 = arith.constant 0 : index
    %swap3A_64 = arith.constant 0 : index
    %swap3A_65 = vector.load %arg8[%swap3A, %swap3A_63, %swap3A_64] : memref<2x1024x128xf32, #tpu.memory_space<vmem>>, vector<1x1024x128xf32>
    %swap3A_66 = vector.shape_cast %swap3A_65 : vector<1x1024x128xf32> to vector<1024x128xf32>
    %swap3A_67 = vector.shape_cast %slice3A : vector<1024x128xf32> to vector<1x1024x128xf32>
    tpu.vector_store %arg8[%swap3A, %swap3A_63, %swap3A_64], %swap3A_67 {strides = array<i32>} : memref<2x1024x128xf32, #tpu.memory_space<vmem>>, vector<1x1024x128xf32>,
    %slice3A_68 = vector.extract_strided_slice %max3A_62 {offsets = [0, 128], sizes = [1024, 128], strides = [1, 1]} : vector<1024x256xf32> to vector<1024x128xf32>
    %swap3A_69 = arith.constant 1 : index
    %swap3A_70 = arith.constant 0 : index
    %swap3A_71 = arith.constant 0 : index
    %swap3A_72 = vector.load %arg8[%swap3A_69, %swap3A_70, %swap3A_71] : memref<2x1024x128xf32, #tpu.memory_space<vmem>>, vector<1x1024x128xf32>
    %swap3A_73 = vector.shape_cast %swap3A_72 : vector<1x1024x128xf32> to vector<1024x128xf32>
    %swap3A_74 = vector.shape_cast %slice3A_68 : vector<1024x128xf32> to vector<1x1024x128xf32>
    tpu.vector_store %arg8[%swap3A_69, %swap3A_70, %swap3A_71], %swap3A_74 {strides = array<i32>} : memref<2x1024x128xf32, #tpu.memory_space<vmem>>, vector<1x1024x128xf32>,
    %get3A_75 = arith.constant 0 : index
    %get3A_76 = arith.constant 0 : index
    %get3A_77 = vector.load %arg7[%get3A_75, %get3A_76] : memref<256x256xf32, #tpu.memory_space<vmem>>, vector<256x256xf32>
    %dot_general3A_78 = arith.constant dense<0.000000e+00> : vector<1024x256xf32>
    %dot_general3A_79 = tpu.matmul %max3A_62, %get3A_77, %dot_general3A_78 {dimension_numbers = #tpu.dot_dimension_numbers<[1], [0], [0], [1], [0, 0, 1, 1], [], []>, transpose_lhs_hint = false} : vector<1024x256xf32>, vector<256x256xf32>, vector<1024x256xf32> -> vector<1024x256xf32>
    %swap3A_80 = arith.constant 0 : index
    %swap3A_81 = arith.constant 0 : index
    %swap3A_82 = vector.load %arg9[%swap3A_80, %swap3A_81] : memref<1024x256xf32, #tpu.memory_space<vmem>>, vector<1024x256xf32>
    tpu.vector_store %arg9[%swap3A_80, %swap3A_81], %dot_general3A_79 {strides = array<i32>} : memref<1024x256xf32, #tpu.memory_space<vmem>>, vector<1024x256xf32>,
    %swap3A_83 = arith.constant 0 : index
    %swap3A_84 = arith.constant 0 : index
    %swap3A_85 = vector.load %arg10[%swap3A_83, %swap3A_84] : memref<1024x1xf32, #tpu.memory_space<vmem>>, vector<1024x1xf32>
    tpu.vector_store %arg10[%swap3A_83, %swap3A_84], %div3A_39 {strides = array<i32>} : memref<1024x1xf32, #tpu.memory_space<vmem>>, vector<1024x1xf32>,
    return
  }
  func.func @transform_0(%arg0: i32) -> (i32, i32, i32) {
    %c0_i32 = arith.constant 0 : i32
    %c0_i32_0 = arith.constant 0 : i32
    %c0_i32_1 = arith.constant 0 : i32
    return %c0_i32, %arg0, %c0_i32_0 : i32, i32, i32
  }
  func.func @transform_1(%arg0: i32) -> (i32, i32, i32) {
    %c0_i32 = arith.constant 0 : i32
    %c0_i32_0 = arith.constant 0 : i32
    %c0_i32_1 = arith.constant 0 : i32
    return %c0_i32, %arg0, %c0_i32_0 : i32, i32, i32
  }
  func.func @transform_2(%arg0: i32) -> (i32, i32) {
    %c0_i32 = arith.constant 0 : i32
    %c0_i32_0 = arith.constant 0 : i32
    return %arg0, %c0_i32 : i32, i32
  }
  func.func @transform_3(%arg0: i32) -> (i32, i32) {
    %c0_i32 = arith.constant 0 : i32
    %c0_i32_0 = arith.constant 0 : i32
    %c0_i32_1 = arith.constant 0 : i32
    return %c0_i32, %c0_i32_0 : i32, i32
  }
  func.func @transform_4(%arg0: i32) -> (i32, i32) {
    %c0_i32 = arith.constant 0 : i32
    %c0_i32_0 = arith.constant 0 : i32
    %c0_i32_1 = arith.constant 0 : i32
    return %c0_i32, %c0_i32_0 : i32, i32
  }
  func.func @transform_5(%arg0: i32) -> (i32, i32) {
    %c0_i32 = arith.constant 0 : i32
    %c0_i32_0 = arith.constant 0 : i32
    %c0_i32_1 = arith.constant 0 : i32
    return %c0_i32, %c0_i32_0 : i32, i32
  }
  func.func @transform_6(%arg0: i32) -> (i32, i32) {
    %c0_i32 = arith.constant 0 : i32
    %c0_i32_0 = arith.constant 0 : i32
    %c0_i32_1 = arith.constant 0 : i32
    return %c0_i32, %c0_i32_0 : i32, i32
  }
  func.func @transform_7(%arg0: i32) -> (i32, i32, i32) {
    %c0_i32 = arith.constant 0 : i32
    %c0_i32_0 = arith.constant 0 : i32
    %c0_i32_1 = arith.constant 0 : i32
    return %c0_i32, %arg0, %c0_i32_0 : i32, i32, i32
  }
  func.func @transform_8(%arg0: i32) -> (i32, i32) {
    %c0_i32 = arith.constant 0 : i32
    %c0_i32_0 = arith.constant 0 : i32
    return %arg0, %c0_i32 : i32, i32
  }
  func.func @transform_9(%arg0: i32) -> (i32, i32) {
    %c0_i32 = arith.constant 0 : i32
    %c0_i32_0 = arith.constant 0 : i32
    return %arg0, %c0_i32 : i32, i32
  }
}

module attributes {stable_mosaic.version = 14 : i64} {
  func.func @_tc2_body(%arg0: i32, %arg1: memref<2x1000x128xf32, #tpu.memory_space<vmem>>, %arg2: memref<1000x1xf32, #tpu.memory_space<vmem>>, %arg3: memref<1000x256xf32, #tpu.memory_space<vmem>>, %arg4: memref<2x128x256xf32, #tpu.memory_space<vmem>>, %arg5: memref<1x256xf32, #tpu.memory_space<vmem>>, %arg6: memref<1000x256xf32, #tpu.memory_space<vmem>>) attributes {dimension_semantics = [#tpu.dimension_semantics<arbitrary>], iteration_bounds = array<i64: 10>, scalar_prefetch = 0 : i64, scratch_operands = 0 : i64, tpu.core_type = #tpu.core_type<tc>, window_params = [{transform_indices = @transform_0, window_bounds = array<i64: 2, 1000, 128>}, {transform_indices = @transform_1, window_bounds = array<i64: 1000, 1>}, {transform_indices = @transform_2, window_bounds = array<i64: 1000, 256>}, {pipeline_mode = #tpu.pipeline_mode<synchronous>, transform_indices = @transform_3, window_bounds = array<i64: 2, 128, 256>}, {pipeline_mode = #tpu.pipeline_mode<synchronous>, transform_indices = @transform_4, window_bounds = array<i64: 1, 256>}, {transform_indices = @transform_5, window_bounds = array<i64: 1000, 256>}]} {
    %get3A = arith.constant 0 : index
    %get3A_0 = arith.constant 0 : index
    %get3A_1 = vector.load %arg2[%get3A, %get3A_0] : memref<1000x1xf32, #tpu.memory_space<vmem>>, vector<1000x1xf32>
    %get3A_2 = arith.constant 0 : index
    %get3A_3 = arith.constant 0 : index
    %get3A_4 = arith.constant 0 : index
    %get3A_5 = vector.load %arg1[%get3A_2, %get3A_3, %get3A_4] : memref<2x1000x128xf32, #tpu.memory_space<vmem>>, vector<1x1000x128xf32>
    %get3A_6 = vector.shape_cast %get3A_5 : vector<1x1000x128xf32> to vector<1000x128xf32>
    %mul3A = vector.broadcast %get3A_1 : vector<1000x1xf32> to vector<1000x128xf32>
    %mul3A_7 = arith.mulf %get3A_6, %mul3A : vector<1000x128xf32>
    %get3A_8 = arith.constant 1 : index
    %get3A_9 = arith.constant 0 : index
    %get3A_10 = arith.constant 0 : index
    %get3A_11 = vector.load %arg1[%get3A_8, %get3A_9, %get3A_10] : memref<2x1000x128xf32, #tpu.memory_space<vmem>>, vector<1x1000x128xf32>
    %get3A_12 = vector.shape_cast %get3A_11 : vector<1x1000x128xf32> to vector<1000x128xf32>
    %mul3A_13 = vector.broadcast %get3A_1 : vector<1000x1xf32> to vector<1000x128xf32>
    %mul3A_14 = arith.mulf %get3A_12, %mul3A_13 : vector<1000x128xf32>
    %get3A_15 = arith.constant 0 : index
    %get3A_16 = arith.constant 0 : index
    %get3A_17 = arith.constant 0 : index
    %get3A_18 = vector.load %arg4[%get3A_15, %get3A_16, %get3A_17] : memref<2x128x256xf32, #tpu.memory_space<vmem>>, vector<1x128x256xf32>
    %get3A_19 = vector.shape_cast %get3A_18 : vector<1x128x256xf32> to vector<128x256xf32>
    %dot_general3A = arith.constant dense<0.000000e+00> : vector<1000x256xf32>
    %dot_general3A_20 = tpu.matmul %mul3A_7, %get3A_19, %dot_general3A {dimension_numbers = #tpu.dot_dimension_numbers<[1], [0], [0], [1], [0, 0, 1, 1], [], []>, transpose_lhs_hint = false} : vector<1000x128xf32>, vector<128x256xf32>, vector<1000x256xf32> -> vector<1000x256xf32>
    %get3A_21 = arith.constant 1 : index
    %get3A_22 = arith.constant 0 : index
    %get3A_23 = arith.constant 0 : index
    %get3A_24 = vector.load %arg4[%get3A_21, %get3A_22, %get3A_23] : memref<2x128x256xf32, #tpu.memory_space<vmem>>, vector<1x128x256xf32>
    %get3A_25 = vector.shape_cast %get3A_24 : vector<1x128x256xf32> to vector<128x256xf32>
    %dot_general3A_26 = arith.constant dense<0.000000e+00> : vector<1000x256xf32>
    %dot_general3A_27 = tpu.matmul %mul3A_14, %get3A_25, %dot_general3A_26 {dimension_numbers = #tpu.dot_dimension_numbers<[1], [0], [0], [1], [0, 0, 1, 1], [], []>, transpose_lhs_hint = false} : vector<1000x128xf32>, vector<128x256xf32>, vector<1000x256xf32> -> vector<1000x256xf32>
    %add3A = arith.addf %dot_general3A_20, %dot_general3A_27 : vector<1000x256xf32>
    %get3A_28 = arith.constant 0 : index
    %get3A_29 = arith.constant 0 : index
    %get3A_30 = vector.load %arg3[%get3A_28, %get3A_29] : memref<1000x256xf32, #tpu.memory_space<vmem>>, vector<1000x256xf32>
    %add3A_31 = arith.addf %add3A, %get3A_30 : vector<1000x256xf32>
    %get3A_32 = arith.constant 0 : index
    %get3A_33 = arith.constant 0 : index
    %get3A_34 = vector.load %arg5[%get3A_32, %get3A_33] : memref<1x256xf32, #tpu.memory_space<vmem>>, vector<1x256xf32>
    %add3A_35 = vector.broadcast %get3A_34 : vector<1x256xf32> to vector<1000x256xf32>
    %add3A_36 = arith.addf %add3A_31, %add3A_35 : vector<1000x256xf32>
    %max3A = arith.constant 0.000000e+00 : f32
    %max3A_37 = vector.broadcast %max3A : f32 to vector<1000x256xf32>
    %max3A_38 = arith.maximumf %add3A_36, %max3A_37 : vector<1000x256xf32>
    %swap3A = arith.constant 0 : index
    %swap3A_39 = arith.constant 0 : index
    %swap3A_40 = vector.load %arg6[%swap3A, %swap3A_39] : memref<1000x256xf32, #tpu.memory_space<vmem>>, vector<1000x256xf32>
    tpu.vector_store %arg6[%swap3A, %swap3A_39], %max3A_38 {strides = array<i32>} : memref<1000x256xf32, #tpu.memory_space<vmem>>, vector<1000x256xf32>,
    return
  }
  func.func @transform_0(%arg0: i32) -> (i32, i32, i32) {
    %c0_i32 = arith.constant 0 : i32
    %c0_i32_0 = arith.constant 0 : i32
    %c0_i32_1 = arith.constant 0 : i32
    return %c0_i32, %arg0, %c0_i32_0 : i32, i32, i32
  }
  func.func @transform_1(%arg0: i32) -> (i32, i32) {
    %c0_i32 = arith.constant 0 : i32
    %c0_i32_0 = arith.constant 0 : i32
    return %arg0, %c0_i32 : i32, i32
  }
  func.func @transform_2(%arg0: i32) -> (i32, i32) {
    %c0_i32 = arith.constant 0 : i32
    %c0_i32_0 = arith.constant 0 : i32
    return %arg0, %c0_i32 : i32, i32
  }
  func.func @transform_3(%arg0: i32) -> (i32, i32, i32) {
    %c0_i32 = arith.constant 0 : i32
    %c0_i32_0 = arith.constant 0 : i32
    %c0_i32_1 = arith.constant 0 : i32
    %c0_i32_2 = arith.constant 0 : i32
    return %c0_i32, %c0_i32_0, %c0_i32_1 : i32, i32, i32
  }
  func.func @transform_4(%arg0: i32) -> (i32, i32) {
    %c0_i32 = arith.constant 0 : i32
    %c0_i32_0 = arith.constant 0 : i32
    %c0_i32_1 = arith.constant 0 : i32
    return %c0_i32, %c0_i32_0 : i32, i32
  }
  func.func @transform_5(%arg0: i32) -> (i32, i32) {
    %c0_i32 = arith.constant 0 : i32
    %c0_i32_0 = arith.constant 0 : i32
    return %arg0, %c0_i32 : i32, i32
  }
}

</mosaic_0001>

<sc_bundles>
// kernel: kernel.6.cloned.1.call-start
scs
__scs_entry_jumppad:
0x0: {  	(pc) =	sbr.rel $0x88, $3  }
0x1: {  	(tag) =	ssettag $0x0;
	lr =	simm.s32 $0x1  }
0x2: {  	[smem:$0x3F95] =	sst lr;
	_ =	strace $0xD0000000  }
0x3: {  	_ = 	snop  }
0x4: {  	_ = 	snop  }
0x5: {  	_ = 	snop  }
0x6: {  	_ = 	snop  }
0x7: {  	_ = 	snop  }
__scs_overlays_trampoline_lowered:
0x8: {  	[smem:$0x3FA4] =	sst s0  }
0x9: {  	[smem:$0x3FA5] =	sst s1  }
0xa: {  	[smem:$0x3FA6] =	sst s2  }
0xb: {  	[smem:$0x3FA7] =	sst s3  }
0xc: {  	[smem:$0x3FA8] =	sst s4  }
0xd: {  	[smem:$0x3FA9] =	sst s5  }
0xe: {  	[smem:$0x3FAA] =	sst s6  }
0xf: {  	[smem:$0x3FAB] =	sst s7  }
0x10: {  	[smem:$0x3FAC] =	sst s8  }
0x11: {  	[smem:$0x3FAD] =	sst s9;
	s0 =	simm.s32 @!p0 $0x0  }
0x12: {  	s1 =	sld [smem:$0x3F93];
	s0 =	simm.s32 @p0 $0x1  }
0x13: {  	[smem:$0x3FAE] =	sst s0;
	s0 =	simm.s32 @!p1 $0x0  }
0x14: {  	s2 =	sld [smem:$0x3F92];
	s0 =	simm.s32 @p1 $0x1  }
0x15: {  	[smem:$0x3FAF] =	sst s0;
	s0 =	simm.s32 @!p2 $0x0  }
0x16: {  	s3 =	sld [smem:$0x3FDB];
	s0 =	simm.s32 @p2 $0x1  }
0x17: {  	s4 =	simm.s32 $0x1BF5;
	[smem:$0x3FB1] =	sst s0  }
0x18: {  	s0 =	sld [smem:$0x3F94];
	_ =	swait.ge [sflag:s4], $0x0  }
0x19: {  	s7 =	sld [smem:$0x3F95]  }
0x1a: {  	s8 =	sadd.s32 $0xFFFFE003, lr  }
0x1b: {  	s9 =	sadd.s32 $0xFFFFFEF7, lr;
	s5 =	simm.s32 $0xFFFFFFFF;
	p2 =	slt.u32 s8, $0xFFFFF086  }
0x1c: {  	p1 =	slt.u32 s9, $0xF7A;
	s5 =	simm.s32 @!p2 $0x0  }
0x1d: {  	s5 =	simm.s32 @p1 $0x1;
	p0 =	seq.s32 s7, s2  }
0x1e: {  	s7 =	smul.u32 @!p0 $0xF7A, s2;
	p2 =	seq.s32 @!p0 s5, $0x0  }
0x1f: {  	s9 =	smul.u32 $0xF7A, s1;
	s8 =	simm.s32 @!p0 $0x1BF5;
	p2 =	por !p2, p0  }
0x20: {  	[sflag:s8] =	ssyncset.s32 @!p0 $0xFFFFF086;
	s6 =	sadd.s32 @!p0 s3, s7;
	s7 =	simm.s32 @!p0 $0x108  }
0x21: {  	s3 =	sadd.s32 s3, s9;
	s6 =	sadd.s32 @!p0 $0x88, s6;
	s7 =	simm.s32 @p2 $0x1082  }
0x22: {  	[simem:s7], [sflag:s8] =	dma.local @!p0 [hbm:s6], $0xF7A  }
0x23: {  	s9 =	sor.u32 $0xD0000000, s2;
	s6 =	simm.s32 $0x108;
	_ =	swait.ge @!p0 [sflag:s8], $0x0  }
0x24: {  	s3 =	sadd.s32 $0x88, s3;
	s6 =	simm.s32 @!p1 $0x1082;
	[sflag:s4] =	ssyncset.s32 $0xFFFFF086  }
0x25: {  	[simem:s6], [sflag:s4] =	dma.local [hbm:s3], $0xF7A  }
0x26: {  	[smem:$0x3F95] =	sst s1;
	(tag) =	ssettag s2;
	_ =	strace s9  }
0x27: {  	s1 =	sld [smem:$0x3FA5]  }
0x28: {  	s2 =	sld [smem:$0x3FA6]  }
0x29: {  	s4 =	sld [smem:$0x3FA8]  }
0x2a: {  	p0 =	seq.s32 s5, $0x0;
	s5 =	sld [smem:$0x3FA9]  }
0x2b: {  	s6 =	sld [smem:$0x3FAA]  }
0x2c: {  	s7 =	sld [smem:$0x3FAB]  }
0x2d: {  	s3 =	simm.s32 $0x108;
	s8 =	sld [smem:$0x3FAC]  }
0x2e: {  	s3 =	simm.s32 @!p0 $0x1082;
	s9 =	sld [smem:$0x3FAD]  }
0x2f: {  	lr =	sadd.s32 s0, s3;
	s0 =	sld [smem:$0x3FA4]  }
0x30: {  	s3 =	sld [smem:$0x3FA7]  }
0x31: {  	[smem:$0x3FB0] =	sst s10  }
0x32: {  	s10 =	sld [smem:$0x3FAE];
	_ =	sdelay $0x3  }
0x33: {  	p0 =	seq.s32 s10, $0x1;
	s10 =	sld [smem:$0x3FB0];
	_ =	sdelay $0x3  }
0x34: {  	[smem:$0x3FB0] =	sst s10  }
0x35: {  	s10 =	sld [smem:$0x3FAF];
	_ =	sdelay $0x3  }
0x36: {  	p1 =	seq.s32 s10, $0x1;
	s10 =	sld [smem:$0x3FB0];
	_ =	sdelay $0x3  }
0x37: {  	[smem:$0x3FB0] =	sst s10  }
0x38: {  	s10 =	sld [smem:$0x3FB1]  }
0x39: {  	_ = 	snop;
	(pc) =	sbr.ind lr, $3  }
0x3a: {  	_ = 	snop  }
0x3b: {  	_ = 	snop  }
0x3c: {  	p2 =	seq.s32 s10, $0x1;
	s10 =	sld [smem:$0x3FB0]  }
0x3d: {  	_ =	shalt  }
0x3e: {  	_ =	shalt  }
0x3f: {  	_ =	shalt  }
0x40: {  	_ =	shalt  }
0x41: {  	_ =	shalt  }
0x42: {  	_ =	shalt  }
0x43: {  	_ =	shalt  }
0x44: {  	_ =	shalt  }
0x45: {  	_ =	shalt  }
0x46: {  	_ =	shalt  }
0x47: {  	_ =	shalt  }
0x48: {  	_ =	shalt  }
0x49: {  	_ =	shalt  }
0x4a: {  	_ =	shalt  }
0x4b: {  	_ =	shalt  }
0x4c: {  	_ =	shalt  }
0x4d: {  	_ =	shalt  }
0x4e: {  	_ =	shalt  }
0x4f: {  	_ =	shalt  }
0x50: {  	_ =	shalt  }
0x51: {  	_ =	shalt  }
0x52: {  	_ =	shalt  }
0x53: {  	_ =	shalt  }
0x54: {  	_ =	shalt  }
0x55: {  	_ =	shalt  }
0x56: {  	_ =	shalt  }
0x57: {  	_ =	shalt  }
0x58: {  	_ =	shalt  }
0x59: {  	_ =	shalt  }
0x5a: {  	_ =	shalt  }
0x5b: {  	_ =	shalt  }
0x5c: {  	_ =	shalt  }
0x5d: {  	_ =	shalt  }
0x5e: {  	_ =	shalt  }
0x5f: {  	_ =	shalt  }
0x60: {  	_ =	shalt  }
0x61: {  	_ =	shalt  }
0x62: {  	_ =	shalt  }
0x63: {  	_ =	shalt  }
0x64: {  	_ =	shalt  }
0x65: {  	_ =	shalt  }
0x66: {  	_ =	shalt  }
0x67: {  	_ =	shalt  }
0x68: {  	_ =	shalt  }
0x69: {  	_ =	shalt  }
0x6a: {  	_ =	shalt  }
0x6b: {  	_ =	shalt  }
0x6c: {  	_ =	shalt  }
0x6d: {  	_ =	shalt  }
0x6e: {  	_ =	shalt  }
0x6f: {  	_ =	shalt  }
0x70: {  	_ =	shalt  }
0x71: {  	_ =	shalt  }
0x72: {  	_ =	shalt  }
0x73: {  	_ =	shalt  }
0x74: {  	_ =	shalt  }
0x75: {  	_ =	shalt  }
0x76: {  	_ =	shalt  }
0x77: {  	_ =	shalt  }
0x78: {  	_ =	shalt  }
0x79: {  	_ =	shalt  }
0x7a: {  	_ =	shalt  }
0x7b: {  	_ =	shalt  }
0x7c: {  	_ =	shalt  }
0x7d: {  	_ =	shalt  }
0x7e: {  	_ =	shalt  }
0x7f: {  	_ =	shalt  }
0x80: {  	_ =	shalt  }
0x81: {  	_ =	shalt  }
0x82: {  	_ =	shalt  }
0x83: {  	_ =	shalt  }
0x84: {  	_ =	shalt  }
0x85: {  	_ =	shalt  }
0x86: {  	_ =	shalt  }
0x87: {  	_ =	shalt  }
.Lfunc_end0:
.L_simem_size_0:
called_computation_lowered:
.L_overlay_start_0:
0x88: {  	s2 =	sld [smem:$0x3FD9]  }
0x89: {  	s3 =	sld [smem:$0x3FFE];
	_ =	sdelay $0x1  }
0x8a: {  	s1 =	srdreg.scid  }
0x8b: {  	s0 =	sand.u32 $0x1, s1  }
0x8c: {  	s17 =	sshll.u32 s0, $0xA;
	s2 =	sadd.s32 s3, s2  }
0x8d: {  	s2 =	sadd.s32 s2, s17  }
0x8e: {  	[smem:$0x3FBC] =	sst s2  }
0x8f: {  	_ = 	snop  }
0x90: {  	s2 =	sld [smem:$0x3FD0];
	(tm) =	ssettm $0x1  }
0x91: {  	s18 =	sld [smem:$0x3FFB];
	_ =	sdelay $0x3  }
0x92: {  	_ =	strace s18  }
0x93: {  	s3 =	sld [smem:$0x3FFC];
	_ =	sdelay $0x3  }
0x94: {  	_ =	strace s3  }
0x95: {  	s3 =	sld [smem:$0x3FFD];
	_ =	sdelay $0x3  }
0x96: {  	_ =	strace s3  }
0x97: {  	_ =	strace $0x8FFFFFFF  }
0x98: {  	s19 =	sld [smem:$0x3FDB];
	_ =	sdelay $0x1  }
0x99: {  	s4 =	simm.s32 $_scs_section_size  }
0x9a: {  	s5 =	simm.s32 $_size__tile_overlayer_lowered;
	s6 =	simm.s32 $_tile_overlayer_lowered  }
0x9b: {  	s22 =	simm.s32 $0x1BFF;
	s21 =	sshll.u32 s6, $0x1;
	s3 =	sadd.s32 s4, s19  }
0x9c: {  	s7 =	simm.s32 $0x0;
	s20 =	sshll.u32 s5, $0x1;
	s5 =	sadd.s32 s21, s3  }
0x9d: {  	[timem:s7], [sflag:s22] =	dma.local [hbm:s5], s20  }
0x9e: {  	_ =	swait.ge [sflag:s22], s20  }
0x9f: {  	s4 =	ssub.s32 $0x0, s20;
	[sflag:s22] =	ssyncset.done $0x0  }
0xa0: {  	[sflag:s22] =	ssyncadd.s32 s4;
	_ =	sdelay $0x1  }
0xa1: {  	s23 =	simm.s32 $0x1B8B  }
0xa2: {  	_ =	swait.ge [sflag:s23], $0x1  }
0xa3: {  	[sflag:s23] =	ssyncset.done $0x0  }
0xa4: {  	s25 =	simm.s32 $0x1B8E;
	s24 =	sld [smem:$0x3FFE];
	[sflag:s23] =	ssyncadd.s32 $0xFFFFFFFF  }
0xa5: {  	s26 =	simm.s32 $execute0_lowered;
	[smem:$0x3FD2] =	sst s25  }
0xa6: {  	s5 =	sshll.u32 s26, $0x1;
	_ =	strace $0x80000046;
	[dreg:$0x1] =	wrdreg $0xFFFFFFFF  }
0xa7: {  	s28 =	simm.s32 $_size_execute0_lowered;
	s3 =	sadd.s32 s3, s5;
	[dreg:$0x0] =	wrdreg $0x0  }
0xa8: {  	s5 =	sshll.u32 s28, $0x1;
	[dreg:$0x2] =	wrdreg s3  }
0xa9: {  	[dreg:$0x3] =	wrdreg s5  }
0xaa: {  	[dreg:$0x4] =	wrdreg $0xC0  }
0xab: {  	_ =	task [dreg:s7], $0x5FFFF  }
0xac: {  	[dreg:$0x1] =	wrdreg $0xFFFFFFFF  }
0xad: {  	[dreg:$0x0] =	wrdreg $0x60  }
0xae: {  	[dreg:$0x2] =	wrdreg s2  }
0xaf: {  	[dreg:$0x3] =	wrdreg s24  }
0xb0: {  	[dreg:$0x4] =	wrdreg $0xAB800  }
0xb1: {  	[dreg:$0x5] =	wrdreg $0x1EB800  }
0xb2: {  	[dreg:$0x6] =	wrdreg $0x9  }
0xb3: {  	_ =	task.clear_ibuf [dreg:s7], $0x7FFFF;
	_ =	strace $0x90000046  }
0xb4: {  	s29 =	simm.s32 $0x9;
	_ =	strace $0x80000048  }
0xb5: {  	_ =	swait.ge [sflag:s29], $0x1  }
0xb6: {  	[sflag:s29] =	ssyncadd.s32 $0xFFFFFFFF  }
0xb7: {  	_ =	strace $0x90000048  }
0xb8: {  	_ =	sfence  }
0xb9: {  	s30 =	sld [smem:$0x0];
	_ =	sdelay $0x2  }
0xba: {  	s31 =	sshll.u32 s1, $0xD;
	s1 =	sshrl.u32 s1, $0x2  }
0xbb: {  	s3 =	sand.u32 $0x4000, s31;
	s1 =	sadd.s32 s1, s30  }
0xbc: {  	s0 =	sor.u32 s3, s0;
	s1 =	sshll.u32 s1, $0x11  }
0xbd: {  	s0 =	sor.u32 s1, s0  }
0xbe: {  	s0 =	sadd.s32 $0x8F2B, s0  }
0xbf: {  	[sflag:s0] =	ssyncadd.remote.s32 $0x1  }
0xc0: {  	_ =	sfence.sel $0xFFFF  }
0xc1: {  	[dreg:$0x0] =	wrdreg $0xFFFFFFFF;
	(pc) =	sbr.abs _section_cstart, $3  }
0xc2: {  	[dreg:$0x1] =	wrdreg $0xFFFFFFFF  }
0xc3: {  	_ =	task.clear_ibuf [dreg:s7], $0x2FFFF;
	_ =	strace $0x9FFFFFFF  }
0xc4: {  	(tm) =	ssettm $0x7FFFFFFF  }
0xc5: {  	_ =	shalt  }
tec
execute0_lowered:
.L_overlay_start_1:
0x0: {  	(tag) =	ssettag $0x1  }
0x1: {  	s0 =	rddreg [dreg:$0x0]  }
0x2: {  	s7 =	rddreg [dreg:$0x1]  }
0x3: {  	s2 =	rddreg [dreg:$0x2];
	s1 =	srdreg.scid  }
0x4: {  	s3 =	rddreg [dreg:$0x3];
	s4 =	simm.s32 $0x0;
	s14 =	stileid.u32  }
0x5: {  	s19 =	simm.s32 $0x1;
	s20 =	simm.s32 $0x80;
	s21 =	simm.s32 $0x300  }
0x6: {  	s22 =	simm.s32 $0x7;
	s23 =	simm.s32 $0x50;
	s28 =	smul.u32 $0x50000, s14  }
0x7: {  	s8 =	sand.u32 $0x1, s1;
	[smem:$0x7FF] =	sst s4;
	s24 =	smul.u32 $0x2800, s14  }
0x8: {  	s5 =	sadd.s32 $0x3A00, s7;
	s6 =	sadd.s32 $0x17A00, s7;
	s9 =	smul.u32 $0x28000, s8  }
0x9: {  	s31 =	sshll.u32 s14, $0x6;
	p0 =	sne.s32 s14, $0x0;
	s10 =	smul.u32 $0x500, s8  }
0xa: {  	_ =	strace $0x80000047;
	s26 =	ssub.s32 $0x2, s8;
	s8 =	sshll.u32 s8, $0x4  }
0xb: {  	s17 =	sshrl.u32 @!p0 s3, $0x3;
	s29 =	sshrl.u32 s26, $0x1;
	s8 =	sor.u32 s14, s8  }
0xc: {  	s12 =	sadd.s32 s9, s7;
	s13 =	sadd.s32 s10, s7;
	s30 =	smul.u32 $0xA00, s8  }
0xd: {  	s15 =	ssub.s32 s26, s29;
	s9 =	sshrl.u32 s28, $0x2;
	s7 =	smul.u32 $0x50, s8  }
.Ltmp0:
0xe: {  	s8 =	sadd.s32 s6, s24;
	s26 =	simm.s32 $0x0;
	(pc) =	sbr.rel .LBB2_1-.Ltmp0, $4  }
0xf: {  	s16 =	sadd.s32 s9, s2;
	s9 =	sor.u32 $0x1C08, s31;
	s25 =	sadd.s32 $0x40400, s12  }
0x10: {  	v0 =	vlaneseq.u32;
	s12 =	sadd.s32 $0x3FA00, s13;
	s13 =	smax.u32 s15, $0x1;
	s15 =	simm.s32 $0x8  }
0x11: {  	v1 =	vor.u32 $0x10, v0;
	s10 =	sadd.s32 s5, s30;
	s14 =	sshrl.u32 s16, $0x3;
	s16 =	simm.s32 $0x8380  }
0x12: {  	v2 =	vor.u32 $0x20, v0;
	v3 =	vor.u32 $0x30, v0;
	v4 =	vor.u32 $0x40, v0;
	s24 =	sadd.s32 s24, s25;
	s25 =	simm.s32 $0x8300;
	s11 =	sadd.s32 $0x20, s10  }
.LBB2_5:
0x13: {  	_ =	swait.ge [sflag:s22], $0x4000  }
0x14: {  	[sflag:s22] =	ssyncset.done $0x0  }
0x15: {  	[sflag:s22] =	ssyncadd.s32 $0xFFFFC000  }
0x16: {  	s1 =	rddreg [dreg:$0x3]  }
0x17: {  	[spmem:s1] =	stream.indirect.scatter.add.f32 [tilespmem:s16], [sflag:$0x8], $0x80, s25, s23, $0xb8;
	[tilespmem:$0x1EE00] =	vst v63  }
0x18: {  	_ =	swait.ge [sflag:s15], $0x2800  }
0x19: {  	[sflag:s15] =	ssyncset.done $0x0  }
0x1a: {  	[sflag:s15] =	ssyncadd.s32 $0xFFFFD800  }
0x1b: {  	[bflag:$0x0] =	sbarrier.arrive $0xFFFF  }
0x1c: {  	[hbm:s24], [sflag:s9] =	dma.local [spmem:s14], $0x2800  }
0x1d: {  	s26 =	sadd.s32 $0x1, s26;
	_ =	swait.ge [sflag:s15], $0x2800  }
0x1e: {  	p1 =	sne.s32 s26, s13;
	[sflag:s15] =	ssyncset.done $0x0  }
.Ltmp1:
0x1f: {  	s1 =	simm.s32 @!p0 $0x8;
	[sflag:s15] =	ssyncadd.s32 $0xFFFFD800;
	(pc) =	sbr.rel @!p1 .LBB2_6-.Ltmp1, $4  }
0x20: {  	[hbm:s12], [sflag:s9] =	dma.local @!p0 [spmem:s17], $0x500  }
0x21: {  	_ =	swait.ge @!p0 [sflag:s1], $0x500  }
0x22: {  	[sflag:s1] =	ssyncset.done @!p0 $0x0  }
0x23: {  	[sflag:s1] =	ssyncadd.s32 @!p0 $0xFFFFFB00  }
.LBB2_1:
0x24: {  	[spmem:s14], [sflag:s9] =	dma.local [hbm:s8], $0x2800  }
0x25: {  	_ =	swait.ge [sflag:s15], $0x2800  }
0x26: {  	[sflag:s15] =	ssyncset.done $0x0  }
0x27: {  	[sflag:s15] =	ssyncadd.s32 $0xFFFFD800  }
0x28: {  	[tilespmem:s16], [sflag:$0x8] =	stream.linear.gather [hbm4b:s6+s4], $0x2800, $0x38;
	[tilespmem:$0x1EE00] =	vst v63  }
0x29: {  	_ =	swait.ge [sflag:s15], $0x2800  }
0x2a: {  	[sflag:s15] =	ssyncset.done $0x0  }
0x2b: {  	s28 =	simm.s32 @!p0 $0x8;
	[sflag:s15] =	ssyncadd.s32 $0xFFFFD800  }
0x2c: {  	[spmem:s17], [sflag:s9] =	dma.local @!p0 [hbm:s6], $0x500  }
0x2d: {  	_ =	swait.ge @!p0 [sflag:s28], $0x500  }
0x2e: {  	[sflag:s28] =	ssyncset.done @!p0 $0x0  }
0x2f: {  	[sflag:s28] =	ssyncadd.s32 @!p0 $0xFFFFFB00  }
0x30: {  	[tilespmem:$0x8300] =	vst v0  }
0x31: {  	[tilespmem:$0x8310] =	vst v1  }
0x32: {  	[tilespmem:$0x8320] =	vst v2  }
0x33: {  	[tilespmem:$0x8330] =	vst v3  }
0x34: {  	[tilespmem:$0x8340] =	vst v4  }
0x35: {  	[bflag:$0x0] =	sbarrier.arrive $0xFFFF  }
0x36: {  	[tilespmem:s4], [sflag:$0x1] =	stream.linear.gather [hbm4b:s10+s4], $0x100, $0x38;
	[tilespmem:$0x1EE00] =	vst v63  }
0x37: {  	s1 =	simm.s32 $0x100  }
0x38: {  	[tilespmem:s1], [sflag:$0x2] =	stream.linear.gather [hbm4b:s11+s4], $0x100, $0x38;
	[tilespmem:$0x1EE00] =	vst v63  }
.Ltmp2:
0x39: {  	_ = 	snop;
	(pc) =	sbr.rel .LBB2_2-.Ltmp2, $4  }
0x3a: {  	_ =	swait.ge [sflag:s19], $0x100  }
0x3b: {  	[sflag:s19] =	ssyncset.done $0x0  }
0x3c: {  	s30 =	simm.s32 $0x0;
	[sflag:s19] =	ssyncadd.s32 $0xFFFFFF00  }
0x3d: {  	[tilespmem:s21], [sflag:$0x4] =	stream.indirect.gather [hbm4b:s0+s20], $0x80, s4, s20, $0xb8;
	[tilespmem:$0x1EE00] =	vst v63  }
.LBB2_4:
0x3e: {  	s1 =	smul.u32 $0xAB, s30  }
0x3f: {  	p1 =	sgt.u32 s30, $0x4D  }
0x40: {  	s3 =	sadd.s32 @!p1 $0x2, s30;
	s1 =	sshrl.u32 s1, $0x9  }
0x41: {  	s31 =	smul.u32 @!p1 $0xAB, s3;
	s1 =	sand.u32 $0x7F, s1  }
0x42: {  	s1 =	smul.u32 $0x3, s1;
	_ =	sdelay $0x1  }
0x43: {  	s31 =	sshrl.u32 @!p1 s31, $0x9;
	s1 =	ssub.s32 s30, s1  }
0x44: {  	s31 =	sand.u32 @!p1 $0x7F, s31;
	s1 =	sand.u32 $0xFF, s1  }
0x45: {  	s30 =	sshll.u32 s29, $0xE;
	s29 =	sor.u32 $0x6, s29;
	s1 =	sshll.u32 s1, $0x8  }
0x46: {  	s31 =	smul.u32 @!p1 $0x3, s31;
	s30 =	sor.u32 $0x300, s30;
	s18 =	sor.u32 $0x80, s1  }
0x47: {  	[spmem:s2] =	stream.indirect.scatter.add.f32 [tilespmem:s30], [sflag:s29], $0x80, s18, s20, $0xb8;
	[tilespmem:$0x1EE00] =	vst v63  }
0x48: {  	s18 =	ssub.s32 @!p1 s3, s31;
	s3 =	sadd.s32 @!p1 s7, s3  }
0x49: {  	s3 =	sshll.u32 @!p1 s3, $0x5  }
0x4a: {  	s30 =	simm.s32 @!p1 $0x0;
	s18 =	sand.u32 @!p1 $0xFF, s18;
	s3 =	sand.u32 @!p1 $0x1FFFFFE0, s3  }
0x4b: {  	s29 =	sshll.u32 @!p1 s18, $0x8;
	s18 =	sadd.s32 @!p1 $0x1, s18;
	s3 =	sadd.s32 @!p1 s5, s3  }
0x4c: {  	[tilespmem:s29], [sflag:s18] =	stream.linear.gather @!p1 [hbm4b:s3+s30], $0x100, $0x38;
	[tilespmem:$0x1EE00] =	vst v63  }
0x4d: {  	v5 =	vld [tilespmem:s1+$0x80];
	_ =	sdelay $0x4  }
0x4e: {  	(xrf1) =	vunique.msk.u32 $0xffff, v5;
	_ =	sdelay $0xd  }
0x4f: {  	_, v6, vm0 =	vpop (xrf1);
	_ =	sdelay $0x3  }
0x50: {  	v6 =	vcvt.s32.f32 v6;
	_ =	sdelay $0x1  }
0x51: {  	[tilespmem:v5+s16+$0x0] =	vst.idx.add.f32.msk vm0, v6  }
0x52: {  	v5 =	vld [tilespmem:s1+$0x90];
	_ =	sdelay $0x4  }
0x53: {  	(xrf1) =	vunique.msk.u32 $0xffff, v5;
	_ =	sdelay $0xd  }
0x54: {  	_, v6, vm0 =	vpop (xrf1);
	_ =	sdelay $0x3  }
0x55: {  	v6 =	vcvt.s32.f32 v6;
	_ =	sdelay $0x1  }
0x56: {  	[tilespmem:v5+s16+$0x0] =	vst.idx.add.f32.msk vm0, v6  }
0x57: {  	v5 =	vld [tilespmem:s1+$0xA0];
	_ =	sdelay $0x4  }
0x58: {  	(xrf1) =	vunique.msk.u32 $0xffff, v5;
	_ =	sdelay $0xd  }
0x59: {  	_, v6, vm0 =	vpop (xrf1);
	_ =	sdelay $0x3  }
0x5a: {  	v6 =	vcvt.s32.f32 v6;
	_ =	sdelay $0x1  }
0x5b: {  	[tilespmem:v5+s16+$0x0] =	vst.idx.add.f32.msk vm0, v6  }
0x5c: {  	v5 =	vld [tilespmem:s1+$0xB0];
	_ =	sdelay $0x4  }
0x5d: {  	(xrf1) =	vunique.msk.u32 $0xffff, v5;
	_ =	sdelay $0xd  }
0x5e: {  	_, v6, vm0 =	vpop (xrf1);
	_ =	sdelay $0x3  }
0x5f: {  	v6 =	vcvt.s32.f32 v6;
	_ =	sdelay $0x1  }
0x60: {  	[tilespmem:v5+s16+$0x0] =	vst.idx.add.f32.msk vm0, v6  }
0x61: {  	v5 =	vld [tilespmem:s1+$0xC0];
	_ =	sdelay $0x4  }
0x62: {  	(xrf1) =	vunique.msk.u32 $0xffff, v5;
	_ =	sdelay $0xd  }
0x63: {  	_, v6, vm0 =	vpop (xrf1);
	_ =	sdelay $0x3  }
0x64: {  	v6 =	vcvt.s32.f32 v6;
	_ =	sdelay $0x1  }
0x65: {  	[tilespmem:v5+s16+$0x0] =	vst.idx.add.f32.msk vm0, v6  }
0x66: {  	v5 =	vld [tilespmem:s1+$0xD0];
	_ =	sdelay $0x4  }
0x67: {  	(xrf1) =	vunique.msk.u32 $0xffff, v5;
	_ =	sdelay $0xd  }
0x68: {  	_, v6, vm0 =	vpop (xrf1);
	_ =	sdelay $0x3  }
0x69: {  	v6 =	vcvt.s32.f32 v6;
	_ =	sdelay $0x1  }
0x6a: {  	[tilespmem:v5+s16+$0x0] =	vst.idx.add.f32.msk vm0, v6  }
0x6b: {  	v5 =	vld [tilespmem:s1+$0xE0];
	_ =	sdelay $0x4  }
0x6c: {  	(xrf1) =	vunique.msk.u32 $0xffff, v5;
	_ =	sdelay $0xd  }
0x6d: {  	_, v6, vm0 =	vpop (xrf1);
	_ =	sdelay $0x3  }
0x6e: {  	v6 =	vcvt.s32.f32 v6;
	_ =	sdelay $0x1  }
0x6f: {  	[tilespmem:v5+s16+$0x0] =	vst.idx.add.f32.msk vm0, v6  }
0x70: {  	v5 =	vld [tilespmem:s1+$0xF0];
	_ =	sdelay $0x4  }
0x71: {  	(xrf1) =	vunique.msk.u32 $0xffff, v5;
	_ =	sdelay $0xd  }
0x72: {  	_, v6, vm0 =	vpop (xrf1)  }
0x73: {  	p1 =	slt.u32 s28, $0x50  }
.Ltmp3:
0x74: {  	_ = 	snop;
	(pc) =	sbr.rel @!p1 .LBB2_5-.Ltmp3, $3  }
0x75: {  	_ = 	snop  }
0x76: {  	v6 =	vcvt.s32.f32 v6;
	_ =	sdelay $0x1  }
0x77: {  	s30 =	smov.u32 s28;
	[tilespmem:v5+s16+$0x0] =	vst.idx.add.f32.msk vm0, v6  }
.LBB2_2:
0x78: {  	s29 =	sand.u32 $0x1, s30;
	p1 =	seq.s32 s30, $0x0  }
0x79: {  	s28 =	sor.u32 $0x4, s29;
	p2 =	seq.s32 @!p1 s30, $0x4F  }
0x7a: {  	_ =	swait.ge [sflag:s28], $0x4000;
	p2 =	por p1, !p2  }
.Ltmp4:
0x7b: {  	s31 =	sxor.u32 @!p1 $0x1, s29;
	[sflag:s28] =	ssyncset.done $0x0;
	(pc) =	sbr.rel @!p2 .LBB2_4-.Ltmp4, $4  }
0x7c: {  	[sflag:s28] =	ssyncadd.s32 $0xFFFFC000;
	s28 =	sor.u32 @!p1 $0x6, s31  }
0x7d: {  	_ =	swait.ge @!p1 [sflag:s28], $0x4000  }
0x7e: {  	[sflag:s28] =	ssyncset.done @!p1 $0x0  }
0x7f: {  	[sflag:s28] =	ssyncadd.s32 @!p1 $0xFFFFC000;
	s28 =	simm.s32 @!p1 $0x50  }
0x80: {  	s28 =	sadd.s32 @!p1 $0x1, s30  }
0x81: {  	s28 =	simm.s32 @p1 $0x1  }
0x82: {  	s31 =	smul.u32 $0xAB, s28;
	_ =	sdelay $0x1  }
0x83: {  	s31 =	sshrl.u32 s31, $0x9  }
0x84: {  	s31 =	sand.u32 $0x7F, s31  }
0x85: {  	s31 =	smul.u32 $0x3, s31;
	_ =	sdelay $0x1  }
0x86: {  	s31 =	ssub.s32 s28, s31  }
0x87: {  	s31 =	sand.u32 $0xFF, s31  }
.Ltmp5:
0x88: {  	s1 =	sadd.s32 $0x1, s31;
	(pc) =	sbr.rel .LBB2_4-.Ltmp5, $4  }
0x89: {  	s3 =	sand.u32 $0x1, s28;
	_ =	swait.ge [sflag:s1], $0x100  }
0x8a: {  	s18 =	sshll.u32 s3, $0xE;
	s3 =	sor.u32 $0x4, s3;
	[sflag:s1] =	ssyncset.done $0x0  }
0x8b: {  	s31 =	sshll.u32 s31, $0x8;
	[sflag:s1] =	ssyncadd.s32 $0xFFFFFF00;
	s1 =	sor.u32 $0x300, s18  }
0x8c: {  	[tilespmem:s1], [sflag:s3] =	stream.indirect.gather [hbm4b:s0+s20], $0x80, s31, s20, $0xb8;
	[tilespmem:$0x1EE00] =	vst v63  }
.LBB2_6:
0x8d: {  	_ =	sfence.sel $0x180000  }
0x8e: {  	[bflag:$0x0] =	sbarrier.arrive $0xFFFF  }
0x8f: {  	_ =	strace $0x90000047  }
0x90: {  	[bflag:$0x2] =	sbarrier.arrive $0xFFFF  }
0x91: {  	s0 =	rddreg [dreg:$0x4]  }
0x92: {  	s0 =	sadd.s32 @!p0 $0x100000, s0  }
0x93: {  	[sflag:s0] =	ssyncadd.tile.s32 @!p0 $0x1;
	_ =	shalt  }
.Lfunc_end2:
_tile_overlayer_lowered:
.L_overlay_start_2:
0x94: {  	(tag) =	ssettag $0x2  }
0x95: {  	s0 =	rddreg [dreg:$0x0];
	s2 =	stileid.u32  }
0x96: {  	s1 =	rddreg [dreg:$0x1];
	p0 =	sne.s32 s2, $0x0  }
0x97: {  	s3 =	rddreg [dreg:$0x2];
	[bflag:$0x3] =	sbarrier.arrive $0xFFFF;
	s2 =	simm.s32 @!p0 $0x1C08  }
0x98: {  	[timem:s3], [sflag:s2] =	dma.local @!p0 [hbm:s0], s1  }
0x99: {  	s0 =	simm.s32 @!p0 $0x8  }
0x9a: {  	_ =	swait.ge @!p0 [sflag:s0], s1  }
0x9b: {  	s1 =	ssub.s32 @!p0 $0x0, s1;
	[sflag:s0] =	ssyncset.done @!p0 $0x0  }
0x9c: {  	[sflag:s0] =	ssyncadd.s32 @!p0 s1  }
0x9d: {  	[bflag:$0x3] =	sbarrier.arrive $0xFFFF  }
0x9e: {  	_ =	shalt  }

// kernel: kernel.9.cloned.1.call-start
scs
__scs_entry_jumppad:
0x0: {  	(pc) =	sbr.rel $0x88, $3  }
0x1: {  	(tag) =	ssettag $0x0;
	lr =	simm.s32 $0x1  }
0x2: {  	[smem:$0x3F95] =	sst lr;
	_ =	strace $0xD0000000  }
0x3: {  	_ = 	snop  }
0x4: {  	_ = 	snop  }
0x5: {  	_ = 	snop  }
0x6: {  	_ = 	snop  }
0x7: {  	_ = 	snop  }
__scs_overlays_trampoline_lowered:
0x8: {  	[smem:$0x3FA4] =	sst s0  }
0x9: {  	[smem:$0x3FA5] =	sst s1  }
0xa: {  	[smem:$0x3FA6] =	sst s2  }
0xb: {  	[smem:$0x3FA7] =	sst s3  }
0xc: {  	[smem:$0x3FA8] =	sst s4  }
0xd: {  	[smem:$0x3FA9] =	sst s5  }
0xe: {  	[smem:$0x3FAA] =	sst s6  }
0xf: {  	[smem:$0x3FAB] =	sst s7  }
0x10: {  	[smem:$0x3FAC] =	sst s8  }
0x11: {  	[smem:$0x3FAD] =	sst s9;
	s0 =	simm.s32 @!p0 $0x0  }
0x12: {  	s1 =	sld [smem:$0x3F93];
	s0 =	simm.s32 @p0 $0x1  }
0x13: {  	[smem:$0x3FAE] =	sst s0;
	s0 =	simm.s32 @!p1 $0x0  }
0x14: {  	s2 =	sld [smem:$0x3F92];
	s0 =	simm.s32 @p1 $0x1  }
0x15: {  	[smem:$0x3FAF] =	sst s0;
	s0 =	simm.s32 @!p2 $0x0  }
0x16: {  	s3 =	sld [smem:$0x3FDB];
	s0 =	simm.s32 @p2 $0x1  }
0x17: {  	s4 =	simm.s32 $0x1BF5;
	[smem:$0x3FB1] =	sst s0  }
0x18: {  	s0 =	sld [smem:$0x3F94];
	_ =	swait.ge [sflag:s4], $0x0  }
0x19: {  	s7 =	sld [smem:$0x3F95]  }
0x1a: {  	s8 =	sadd.s32 $0xFFFFE003, lr  }
0x1b: {  	s9 =	sadd.s32 $0xFFFFFEF7, lr;
	s5 =	simm.s32 $0xFFFFFFFF;
	p2 =	slt.u32 s8, $0xFFFFF086  }
0x1c: {  	p1 =	slt.u32 s9, $0xF7A;
	s5 =	simm.s32 @!p2 $0x0  }
0x1d: {  	s5 =	simm.s32 @p1 $0x1;
	p0 =	seq.s32 s7, s2  }
0x1e: {  	s7 =	smul.u32 @!p0 $0xF7A, s2;
	p2 =	seq.s32 @!p0 s5, $0x0  }
0x1f: {  	s9 =	smul.u32 $0xF7A, s1;
	s8 =	simm.s32 @!p0 $0x1BF5;
	p2 =	por !p2, p0  }
0x20: {  	[sflag:s8] =	ssyncset.s32 @!p0 $0xFFFFF086;
	s6 =	sadd.s32 @!p0 s3, s7;
	s7 =	simm.s32 @!p0 $0x108  }
0x21: {  	s3 =	sadd.s32 s3, s9;
	s6 =	sadd.s32 @!p0 $0x88, s6;
	s7 =	simm.s32 @p2 $0x1082  }
0x22: {  	[simem:s7], [sflag:s8] =	dma.local @!p0 [hbm:s6], $0xF7A  }
0x23: {  	s9 =	sor.u32 $0xD0000000, s2;
	s6 =	simm.s32 $0x108;
	_ =	swait.ge @!p0 [sflag:s8], $0x0  }
0x24: {  	s3 =	sadd.s32 $0x88, s3;
	s6 =	simm.s32 @!p1 $0x1082;
	[sflag:s4] =	ssyncset.s32 $0xFFFFF086  }
0x25: {  	[simem:s6], [sflag:s4] =	dma.local [hbm:s3], $0xF7A  }
0x26: {  	[smem:$0x3F95] =	sst s1;
	(tag) =	ssettag s2;
	_ =	strace s9  }
0x27: {  	s1 =	sld [smem:$0x3FA5]  }
0x28: {  	s2 =	sld [smem:$0x3FA6]  }
0x29: {  	s4 =	sld [smem:$0x3FA8]  }
0x2a: {  	p0 =	seq.s32 s5, $0x0;
	s5 =	sld [smem:$0x3FA9]  }
0x2b: {  	s6 =	sld [smem:$0x3FAA]  }
0x2c: {  	s7 =	sld [smem:$0x3FAB]  }
0x2d: {  	s3 =	simm.s32 $0x108;
	s8 =	sld [smem:$0x3FAC]  }
0x2e: {  	s3 =	simm.s32 @!p0 $0x1082;
	s9 =	sld [smem:$0x3FAD]  }
0x2f: {  	lr =	sadd.s32 s0, s3;
	s0 =	sld [smem:$0x3FA4]  }
0x30: {  	s3 =	sld [smem:$0x3FA7]  }
0x31: {  	[smem:$0x3FB0] =	sst s10  }
0x32: {  	s10 =	sld [smem:$0x3FAE];
	_ =	sdelay $0x3  }
0x33: {  	p0 =	seq.s32 s10, $0x1;
	s10 =	sld [smem:$0x3FB0];
	_ =	sdelay $0x3  }
0x34: {  	[smem:$0x3FB0] =	sst s10  }
0x35: {  	s10 =	sld [smem:$0x3FAF];
	_ =	sdelay $0x3  }
0x36: {  	p1 =	seq.s32 s10, $0x1;
	s10 =	sld [smem:$0x3FB0];
	_ =	sdelay $0x3  }
0x37: {  	[smem:$0x3FB0] =	sst s10  }
0x38: {  	s10 =	sld [smem:$0x3FB1]  }
0x39: {  	_ = 	snop;
	(pc) =	sbr.ind lr, $3  }
0x3a: {  	_ = 	snop  }
0x3b: {  	_ = 	snop  }
0x3c: {  	p2 =	seq.s32 s10, $0x1;
	s10 =	sld [smem:$0x3FB0]  }
0x3d: {  	_ =	shalt  }
0x3e: {  	_ =	shalt  }
0x3f: {  	_ =	shalt  }
0x40: {  	_ =	shalt  }
0x41: {  	_ =	shalt  }
0x42: {  	_ =	shalt  }
0x43: {  	_ =	shalt  }
0x44: {  	_ =	shalt  }
0x45: {  	_ =	shalt  }
0x46: {  	_ =	shalt  }
0x47: {  	_ =	shalt  }
0x48: {  	_ =	shalt  }
0x49: {  	_ =	shalt  }
0x4a: {  	_ =	shalt  }
0x4b: {  	_ =	shalt  }
0x4c: {  	_ =	shalt  }
0x4d: {  	_ =	shalt  }
0x4e: {  	_ =	shalt  }
0x4f: {  	_ =	shalt  }
0x50: {  	_ =	shalt  }
0x51: {  	_ =	shalt  }
0x52: {  	_ =	shalt  }
0x53: {  	_ =	shalt  }
0x54: {  	_ =	shalt  }
0x55: {  	_ =	shalt  }
0x56: {  	_ =	shalt  }
0x57: {  	_ =	shalt  }
0x58: {  	_ =	shalt  }
0x59: {  	_ =	shalt  }
0x5a: {  	_ =	shalt  }
0x5b: {  	_ =	shalt  }
0x5c: {  	_ =	shalt  }
0x5d: {  	_ =	shalt  }
0x5e: {  	_ =	shalt  }
0x5f: {  	_ =	shalt  }
0x60: {  	_ =	shalt  }
0x61: {  	_ =	shalt  }
0x62: {  	_ =	shalt  }
0x63: {  	_ =	shalt  }
0x64: {  	_ =	shalt  }
0x65: {  	_ =	shalt  }
0x66: {  	_ =	shalt  }
0x67: {  	_ =	shalt  }
0x68: {  	_ =	shalt  }
0x69: {  	_ =	shalt  }
0x6a: {  	_ =	shalt  }
0x6b: {  	_ =	shalt  }
0x6c: {  	_ =	shalt  }
0x6d: {  	_ =	shalt  }
0x6e: {  	_ =	shalt  }
0x6f: {  	_ =	shalt  }
0x70: {  	_ =	shalt  }
0x71: {  	_ =	shalt  }
0x72: {  	_ =	shalt  }
0x73: {  	_ =	shalt  }
0x74: {  	_ =	shalt  }
0x75: {  	_ =	shalt  }
0x76: {  	_ =	shalt  }
0x77: {  	_ =	shalt  }
0x78: {  	_ =	shalt  }
0x79: {  	_ =	shalt  }
0x7a: {  	_ =	shalt  }
0x7b: {  	_ =	shalt  }
0x7c: {  	_ =	shalt  }
0x7d: {  	_ =	shalt  }
0x7e: {  	_ =	shalt  }
0x7f: {  	_ =	shalt  }
0x80: {  	_ =	shalt  }
0x81: {  	_ =	shalt  }
0x82: {  	_ =	shalt  }
0x83: {  	_ =	shalt  }
0x84: {  	_ =	shalt  }
0x85: {  	_ =	shalt  }
0x86: {  	_ =	shalt  }
0x87: {  	_ =	shalt  }
.Lfunc_end0:
.L_simem_size_0:
called_computation.1_lowered:
.L_overlay_start_0:
0x88: {  	s2 =	sld [smem:$0x3FD9]  }
0x89: {  	s3 =	sld [smem:$0x3FFE];
	_ =	sdelay $0x1  }
0x8a: {  	s1 =	srdreg.scid  }
0x8b: {  	s0 =	sand.u32 $0x1, s1  }
0x8c: {  	s16 =	sshll.u32 s0, $0xA;
	s2 =	sadd.s32 s3, s2  }
0x8d: {  	s2 =	sadd.s32 s2, s16  }
0x8e: {  	[smem:$0x3FBC] =	sst s2  }
0x8f: {  	_ = 	snop  }
0x90: {  	(tm) =	ssettm $0x1  }
0x91: {  	s17 =	sld [smem:$0x3FFB];
	_ =	sdelay $0x3  }
0x92: {  	_ =	strace s17  }
0x93: {  	s2 =	sld [smem:$0x3FFC];
	_ =	sdelay $0x3  }
0x94: {  	_ =	strace s2  }
0x95: {  	s2 =	sld [smem:$0x3FFD];
	_ =	sdelay $0x3  }
0x96: {  	_ =	strace s2  }
0x97: {  	_ =	strace $0x8FFFFFFF  }
0x98: {  	s18 =	sld [smem:$0x3FDB];
	_ =	sdelay $0x1  }
0x99: {  	s19 =	simm.s32 $_scs_section_size  }
0x9a: {  	s4 =	simm.s32 $_size__tile_overlayer_lowered;
	s5 =	simm.s32 $_tile_overlayer_lowered  }
0x9b: {  	s22 =	simm.s32 $0x1BFF;
	s21 =	sshll.u32 s5, $0x1;
	s2 =	sadd.s32 s19, s18  }
0x9c: {  	s6 =	simm.s32 $0x0;
	s20 =	sshll.u32 s4, $0x1;
	s4 =	sadd.s32 s21, s2  }
0x9d: {  	[timem:s6], [sflag:s22] =	dma.local [hbm:s4], s20  }
0x9e: {  	_ =	swait.ge [sflag:s22], s20  }
0x9f: {  	s3 =	ssub.s32 $0x0, s20;
	[sflag:s22] =	ssyncset.done $0x0  }
0xa0: {  	[sflag:s22] =	ssyncadd.s32 s3;
	_ =	sdelay $0x1  }
0xa1: {  	s23 =	simm.s32 $0x1B8B  }
0xa2: {  	_ =	swait.ge [sflag:s23], $0x1  }
0xa3: {  	[sflag:s23] =	ssyncset.done $0x0  }
0xa4: {  	s25 =	simm.s32 $0x1B8E;
	s24 =	sld [smem:$0x3FFE];
	[sflag:s23] =	ssyncadd.s32 $0xFFFFFFFF  }
0xa5: {  	s26 =	simm.s32 $execute0_lowered;
	[smem:$0x3FD2] =	sst s25  }
0xa6: {  	s4 =	sshll.u32 s26, $0x1;
	_ =	strace $0x80000049;
	[dreg:$0x1] =	wrdreg $0xFFFFFFFF  }
0xa7: {  	s28 =	simm.s32 $_size_execute0_lowered;
	s2 =	sadd.s32 s2, s4;
	[dreg:$0x0] =	wrdreg $0x0  }
0xa8: {  	s4 =	sshll.u32 s28, $0x1;
	[dreg:$0x2] =	wrdreg s2  }
0xa9: {  	[dreg:$0x3] =	wrdreg s4  }
0xaa: {  	[dreg:$0x4] =	wrdreg $0xC0  }
0xab: {  	_ =	task [dreg:s6], $0x5FFFF  }
0xac: {  	[dreg:$0x1] =	wrdreg $0xFFFFFFFF  }
0xad: {  	[dreg:$0x0] =	wrdreg $0x60  }
0xae: {  	[dreg:$0x2] =	wrdreg s24  }
0xaf: {  	[dreg:$0x3] =	wrdreg $0x83000  }
0xb0: {  	[dreg:$0x4] =	wrdreg $0x9  }
0xb1: {  	_ =	task.clear_ibuf [dreg:s6], $0x5FFFF;
	_ =	strace $0x90000049  }
0xb2: {  	s29 =	simm.s32 $0x9;
	_ =	strace $0x8000004B  }
0xb3: {  	_ =	swait.ge [sflag:s29], $0x1  }
0xb4: {  	[sflag:s29] =	ssyncadd.s32 $0xFFFFFFFF  }
0xb5: {  	_ =	strace $0x9000004B  }
0xb6: {  	_ =	sfence  }
0xb7: {  	s30 =	sld [smem:$0x0];
	_ =	sdelay $0x2  }
0xb8: {  	s31 =	sshll.u32 s1, $0xD;
	s1 =	sshrl.u32 s1, $0x2  }
0xb9: {  	s3 =	sand.u32 $0x4000, s31;
	s1 =	sadd.s32 s1, s30  }
0xba: {  	s0 =	sor.u32 s3, s0;
	s1 =	sshll.u32 s1, $0x11  }
0xbb: {  	s0 =	sor.u32 s1, s0  }
0xbc: {  	s0 =	sadd.s32 $0x8F2B, s0  }
0xbd: {  	[sflag:s0] =	ssyncadd.remote.s32 $0x1  }
0xbe: {  	_ =	sfence.sel $0xFFFF  }
0xbf: {  	[dreg:$0x0] =	wrdreg $0xFFFFFFFF;
	(pc) =	sbr.abs _section_cstart, $3  }
0xc0: {  	[dreg:$0x1] =	wrdreg $0xFFFFFFFF  }
0xc1: {  	_ =	task.clear_ibuf [dreg:s6], $0x2FFFF;
	_ =	strace $0x9FFFFFFF  }
0xc2: {  	(tm) =	ssettm $0x7FFFFFFF  }
0xc3: {  	_ =	shalt  }
tec
execute0_lowered:
.L_overlay_start_1:
0x0: {  	(tag) =	ssettag $0x1  }
0x1: {  	s5 =	rddreg [dreg:$0x0]  }
0x2: {  	s2 =	rddreg [dreg:$0x1]  }
0x3: {  	s0 =	rddreg [dreg:$0x2];
	s3 =	simm.s32 $0x0  }
0x4: {  	s1 =	stileid.u32;
	s4 =	srdreg.scid;
	s14 =	simm.s32 $0x100  }
0x5: {  	s15 =	simm.s32 $0x1;
	s16 =	simm.s32 $0x80;
	s19 =	smul.u32 $0x2800, s1  }
0x6: {  	s17 =	simm.s32 $0x300;
	s18 =	simm.s32 $0x7;
	s9 =	smul.u32 $0x50000, s1  }
0x7: {  	[smem:$0x7FF] =	sst s3;
	s6 =	sand.u32 $0x1, s4;
	s29 =	smul.u32 $0x1400, s1  }
0x8: {  	s4 =	sadd.s32 $0x3A00, s5;
	s31 =	sshll.u32 s1, $0x6;
	s7 =	smul.u32 $0x28000, s6  }
0x9: {  	_ =	strace $0x8000004A;
	s6 =	ssub.s32 $0x2, s6;
	s8 =	sadd.s32 s19, s5  }
0xa: {  	s28 =	sshrl.u32 s6, $0x1;
	s11 =	sadd.s32 s7, s5;
	s5 =	smul.u32 $0xA0, s1  }
.Ltmp0:
0xb: {  	s30 =	sshrl.u32 s9, $0x2;
	s12 =	ssub.s32 s6, s28;
	(pc) =	sbr.rel .LBB2_1-.Ltmp0, $4  }
0xc: {  	s13 =	sadd.s32 s30, s2;
	s6 =	sadd.s32 s4, s29;
	s7 =	sadd.s32 $0x17A00, s8  }
0xd: {  	s8 =	sor.u32 $0x1C08, s31;
	s9 =	sadd.s32 $0x20, s6;
	s10 =	sadd.s32 $0x3FA00, s11  }
0xe: {  	s20 =	sadd.s32 $0xE0400, s11;
	s11 =	smax.u32 s12, $0x1;
	s12 =	sshrl.u32 s13, $0x3  }
0xf: {  	s13 =	simm.s32 $0x8;
	s19 =	sadd.s32 s19, s20;
	s20 =	simm.s32 $0x0  }
.LBB2_5:
0x10: {  	_ =	swait.ge [sflag:s18], $0x4000  }
0x11: {  	s20 =	sadd.s32 $0x1, s20;
	[sflag:s18] =	ssyncset.done $0x0  }
0x12: {  	p0 =	sne.s32 s20, s11;
	[sflag:s18] =	ssyncadd.s32 $0xFFFFC000  }
.Ltmp1:
0x13: {  	[bflag:$0x0] =	sbarrier.arrive $0xFFFF;
	(pc) =	sbr.rel @!p0 .LBB2_6-.Ltmp1, $4  }
0x14: {  	[hbm:s19], [sflag:s8] =	dma.local [spmem:s12], $0x2800  }
0x15: {  	_ =	swait.ge [sflag:s13], $0x2800  }
0x16: {  	[sflag:s13] =	ssyncset.done $0x0  }
0x17: {  	[sflag:s13] =	ssyncadd.s32 $0xFFFFD800  }
.LBB2_1:
0x18: {  	[spmem:s12], [sflag:s8] =	dma.local [hbm:s7], $0x2800  }
0x19: {  	_ =	swait.ge [sflag:s13], $0x2800  }
0x1a: {  	[sflag:s13] =	ssyncset.done $0x0  }
0x1b: {  	[sflag:s13] =	ssyncadd.s32 $0xFFFFD800  }
0x1c: {  	[bflag:$0x0] =	sbarrier.arrive $0xFFFF  }
0x1d: {  	[tilespmem:s3], [sflag:$0x1] =	stream.linear.gather [hbm4b:s6+s3], $0x100, $0x38;
	[tilespmem:$0x1C300] =	vst v63  }
0x1e: {  	_ = 	snop  }
0x1f: {  	[tilespmem:s14], [sflag:$0x2] =	stream.linear.gather [hbm4b:s9+s3], $0x100, $0x38;
	[tilespmem:$0x1C300] =	vst v63  }
.Ltmp2:
0x20: {  	_ = 	snop;
	(pc) =	sbr.rel .LBB2_2-.Ltmp2, $4  }
0x21: {  	_ =	swait.ge [sflag:s15], $0x100  }
0x22: {  	[sflag:s15] =	ssyncset.done $0x0  }
0x23: {  	s23 =	simm.s32 $0x0;
	[sflag:s15] =	ssyncadd.s32 $0xFFFFFF00  }
0x24: {  	[tilespmem:s17], [sflag:$0x4] =	stream.indirect.gather [hbm4b:s10+s16], $0x80, s3, s16, $0xb8;
	[tilespmem:$0x1C300] =	vst v63  }
.LBB2_4:
0x25: {  	s24 =	smul.u32 $0xAB, s23  }
0x26: {  	p0 =	sgt.u32 s23, $0x9D  }
0x27: {  	s25 =	sadd.s32 @!p0 $0x2, s23;
	s24 =	sshrl.u32 s24, $0x9  }
0x28: {  	s26 =	smul.u32 @!p0 $0xAB, s25;
	s24 =	sand.u32 $0x7F, s24  }
0x29: {  	s24 =	smul.u32 $0x3, s24  }
0x2a: {  	s26 =	sshrl.u32 @!p0 s26, $0x9  }
0x2b: {  	s26 =	sand.u32 @!p0 $0x7F, s26;
	s29 =	ssub.s32 s23, s24  }
0x2c: {  	s26 =	smul.u32 @!p0 $0x3, s26;
	s23 =	sand.u32 $0xFF, s29  }
0x2d: {  	s30 =	sshll.u32 s21, $0xE;
	s31 =	sor.u32 $0x6, s21;
	s23 =	sshll.u32 s23, $0x8  }
0x2e: {  	s24 =	sor.u32 $0x300, s30;
	s21 =	ssub.s32 @!p0 s25, s26;
	s23 =	sor.u32 $0x80, s23  }
0x2f: {  	[spmem:s2] =	stream.indirect.scatter.add.f32 [tilespmem:s24], [sflag:s31], $0x80, s23, s16, $0xb8;
	[tilespmem:$0x1C300] =	vst v63  }
0x30: {  	s21 =	sand.u32 @!p0 $0xFF, s21;
	s23 =	sadd.s32 @!p0 s5, s25  }
0x31: {  	s24 =	sshll.u32 @!p0 s21, $0x8;
	s23 =	sshll.u32 @!p0 s23, $0x5  }
0x32: {  	s21 =	sadd.s32 @!p0 $0x1, s21;
	s25 =	simm.s32 @!p0 $0x0;
	s23 =	sadd.s32 @!p0 s4, s23  }
0x33: {  	[tilespmem:s24], [sflag:s21] =	stream.linear.gather @!p0 [hbm4b:s23+s25], $0x100, $0x38;
	[tilespmem:$0x1C300] =	vst v63  }
0x34: {  	p0 =	slt.u32 s22, $0xA0  }
.Ltmp3:
0x35: {  	_ = 	snop;
	(pc) =	sbr.rel @!p0 .LBB2_5-.Ltmp3, $2  }
0x36: {  	_ =	sdelay $0x2  }
0x37: {  	s23 =	smov.u32 s22  }
.LBB2_2:
0x38: {  	s21 =	sand.u32 $0x1, s23;
	p0 =	seq.s32 s23, $0x0  }
0x39: {  	s22 =	sor.u32 $0x4, s21;
	p1 =	seq.s32 @!p0 s23, $0x9F  }
0x3a: {  	_ =	swait.ge [sflag:s22], $0x4000;
	p1 =	por p0, !p1  }
.Ltmp4:
0x3b: {  	s24 =	sxor.u32 @!p0 $0x1, s21;
	[sflag:s22] =	ssyncset.done $0x0;
	(pc) =	sbr.rel @!p1 .LBB2_4-.Ltmp4, $4  }
0x3c: {  	[sflag:s22] =	ssyncadd.s32 $0xFFFFC000;
	s22 =	sor.u32 @!p0 $0x6, s24  }
0x3d: {  	_ =	swait.ge @!p0 [sflag:s22], $0x4000  }
0x3e: {  	[sflag:s22] =	ssyncset.done @!p0 $0x0  }
0x3f: {  	[sflag:s22] =	ssyncadd.s32 @!p0 $0xFFFFC000;
	s22 =	simm.s32 @!p0 $0xA0  }
0x40: {  	s22 =	sadd.s32 @!p0 $0x1, s23  }
0x41: {  	s22 =	simm.s32 @p0 $0x1  }
0x42: {  	s24 =	smul.u32 $0xAB, s22;
	_ =	sdelay $0x1  }
0x43: {  	s24 =	sshrl.u32 s24, $0x9  }
0x44: {  	s24 =	sand.u32 $0x7F, s24  }
0x45: {  	s24 =	smul.u32 $0x3, s24;
	_ =	sdelay $0x1  }
0x46: {  	s24 =	ssub.s32 s22, s24  }
0x47: {  	s24 =	sand.u32 $0xFF, s24  }
.Ltmp5:
0x48: {  	s25 =	sadd.s32 $0x1, s24;
	(pc) =	sbr.rel .LBB2_4-.Ltmp5, $4  }
0x49: {  	s26 =	sand.u32 $0x1, s22;
	_ =	swait.ge [sflag:s25], $0x100  }
0x4a: {  	s31 =	sshll.u32 s26, $0xE;
	s26 =	sor.u32 $0x4, s26;
	[sflag:s25] =	ssyncset.done $0x0  }
0x4b: {  	s24 =	sshll.u32 s24, $0x8;
	[sflag:s25] =	ssyncadd.s32 $0xFFFFFF00;
	s25 =	sor.u32 $0x300, s31  }
0x4c: {  	[tilespmem:s25], [sflag:s26] =	stream.indirect.gather [hbm4b:s10+s16], $0x80, s24, s16, $0xb8;
	[tilespmem:$0x1C300] =	vst v63  }
.LBB2_6:
0x4d: {  	_ =	sfence.sel $0x180000  }
0x4e: {  	[bflag:$0x0] =	sbarrier.arrive $0xFFFF  }
0x4f: {  	p0 =	sne.s32 s1, $0x0;
	_ =	strace $0x9000004A  }
0x50: {  	s0 =	sadd.s32 @!p0 $0x100000, s0;
	[bflag:$0x2] =	sbarrier.arrive $0xFFFF  }
0x51: {  	[sflag:s0] =	ssyncadd.tile.s32 @!p0 $0x1;
	_ =	shalt  }
.Lfunc_end2:
_tile_overlayer_lowered:
.L_overlay_start_2:
0x52: {  	(tag) =	ssettag $0x2  }
0x53: {  	s0 =	rddreg [dreg:$0x0];
	s2 =	stileid.u32  }
0x54: {  	s1 =	rddreg [dreg:$0x1];
	p0 =	sne.s32 s2, $0x0  }
0x55: {  	s3 =	rddreg [dreg:$0x2];
	[bflag:$0x3] =	sbarrier.arrive $0xFFFF;
	s2 =	simm.s32 @!p0 $0x1C08  }
0x56: {  	[timem:s3], [sflag:s2] =	dma.local @!p0 [hbm:s0], s1  }
0x57: {  	s0 =	simm.s32 @!p0 $0x8  }
0x58: {  	_ =	swait.ge @!p0 [sflag:s0], s1  }
0x59: {  	s1 =	ssub.s32 @!p0 $0x0, s1;
	[sflag:s0] =	ssyncset.done @!p0 $0x0  }
0x5a: {  	[sflag:s0] =	ssyncadd.s32 @!p0 s1  }
0x5b: {  	[bflag:$0x3] =	sbarrier.arrive $0xFFFF  }
0x5c: {  	_ =	shalt  }

</sc_bundles>
